<compile_context>
chip_gen: v7x
topology: tpu7x:2x2x1
jax: 0.10.2.dev20260603
libtpu: 0.0.44.dev20260713+nightly
codegen_flags: <defaults>
</compile_context>

<pallas_src>
import jax
import jax.numpy as jnp
from jax import lax
from jax.experimental import pallas as pl
from jax.experimental.pallas import tpu as pltpu
from jax.experimental.pallas import tpu_sc as plsc

WEEK = 7
DAY = 288
D = 64
LANES = 16
WINDOW = 100


def _build_combined_table(dow_table, tod_table):

    def body(dow_ref, tod_ref, c_ref):
        c_ref[...] = dow_ref[...][:, None, :] + tod_ref[...][None, :, :]

    return pl.pallas_call(
        body,
        out_shape=jax.ShapeDtypeStruct((WEEK, DAY, D), jnp.float32),
    )(dow_table, tod_table)


def _sc_gather(combined, dow3, tod3, b, t):
    mesh = plsc.VectorSubcoreMesh(core_axis_name="c", subcore_axis_name="s")
    n_chunks = t // WINDOW

    @pl.kernel(
        out_type=jax.ShapeDtypeStruct((b, t, D), jnp.float32),
        mesh=mesh,
        scratch_types=[
            pltpu.VMEM((WINDOW,), jnp.int32),
            pltpu.VMEM_SHARED((WEEK * DAY, D), jnp.float32),
        ],
        compiler_params=pltpu.CompilerParams(use_tc_tiling_on_sc=False),
    )
    def k(c_hbm, dow_hbm, tod_hbm, out_hbm, idx_ref, c_shared):
        @pl.when(lax.axis_index("s") == 0)
        def _():
            pltpu.sync_copy(c_hbm, c_shared)

        plsc.subcore_barrier()

        def body(dow_v, tod_v, out_v):
            @pl.loop(0, WINDOW - LANES + 1, step=LANES)
            def _(i):
                sl = pl.ds(i, LANES)
                idx_ref[sl] = dow_v.at[0, 0][sl] * DAY + tod_v.at[0, 0][sl]

            tail = pl.ds(WINDOW - LANES, LANES)
            idx_ref[tail] = dow_v.at[0, 0][tail] * DAY + tod_v.at[0, 0][tail]

            pltpu.sync_copy(c_shared.at[idx_ref], out_v.at[0])

        pltpu.emit_pipeline(
            body,
            grid=(b, n_chunks),
            in_specs=[
                pl.BlockSpec((1, 1, WINDOW), index_map=lambda i, j: (i, j, 0)),
                pl.BlockSpec((1, 1, WINDOW), index_map=lambda i, j: (i, j, 0)),
            ],
            out_specs=[
                pl.BlockSpec((1, WINDOW, D), index_map=lambda i, j: (i, j, 0))
            ],
            core_axis_name=("c", "s"),
            dimension_semantics=(pltpu.PARALLEL, pltpu.PARALLEL),
        )(dow_hbm, tod_hbm, out_hbm)

    return k(combined, dow3, tod3)


@jax.jit
def kernel(dow, tod, dow_table, tod_table):
    b, t = dow.shape
    combined = _build_combined_table(dow_table, tod_table).reshape(WEEK * DAY, D)
    dow3 = dow.reshape(b, t // WINDOW, WINDOW).astype(jnp.int32)
    tod3 = tod.reshape(b, t // WINDOW, WINDOW).astype(jnp.int32)
    return _sc_gather(combined, dow3, tod3, b, t)

# --- scband reference (transcript-rebuilt; emitter-appended) ---
"""Pipeline reference for scband-tape-2130303779462 (READ-ONLY COPY).

The authoritative reference and input builder live on the scoring server;
editing this copy changes nothing except your own understanding.
"""

import jax, jax.numpy as jnp
import numpy as np

WEEK_LEN = 7
DAY_LEN = 288
D = 64
B = 16384
T = 200

def setup_inputs(seed: int = 0) -> dict:
    key = jax.random.key(seed)
    k1, k2, k3, k4 = jax.random.split(key, 4)
    dow = jax.random.randint(k1, (B, T), 0, WEEK_LEN, dtype=jnp.int64 if jax.config.jax_enable_x64 else jnp.int32)
    tod = jax.random.randint(k2, (B, T), 0, DAY_LEN, dtype=jnp.int64 if jax.config.jax_enable_x64 else jnp.int32)
    dow_table = jax.random.normal(k3, (WEEK_LEN, D), dtype=jnp.float32)
    tod_table = jax.random.normal(k4, (DAY_LEN, D), dtype=jnp.float32)
    return {"dow": dow, "tod": tod, "dow_table": dow_table, "tod_table": tod_table}

def reference(dow, tod, dow_table, tod_table):
    # Temporal Absolute-Position Embedding: day-of-week embedding + time-of-day embedding
    dow_e = jnp.take(dow_table, dow, axis=0)   # [B, T, D]
    tod_e = jnp.take(tod_table, tod, axis=0)   # [B, T, D]
    return dow_e + tod_e

if __name__ == "__main__":
    import jax
    _d = setup_inputs()
    print(jax.jit(kernel)(*tuple(_d.values())))

</pallas_src>

<mosaic_0001>
#map = affine_map<(d0, d1) -> (0, 0)>
#map1 = affine_map<(d0, d1) -> (0, 0, 0)>
module attributes {stable_mosaic.version = 14 : i64} {
  func.func @k(%arg0: i32, %arg1: i32, %arg2: memref<2016x64xf32, #tpu.memory_space<hbm>>, %arg3: memref<16384x2x100xi32, #tpu.memory_space<hbm>>, %arg4: memref<16384x2x100xi32, #tpu.memory_space<hbm>>, %arg5: memref<16384x200x64xf32, #tpu.memory_space<hbm>>, %arg6: memref<100xi32, #tpu.memory_space<vmem>>, %arg7: memref<2016x64xf32, #tpu.memory_space<vmem_shared>>) attributes {dimension_semantics = [#tpu.dimension_semantics<core_parallel>, #tpu.dimension_semantics<subcore_parallel>], iteration_bounds = array<i64: 2, 16>, scalar_prefetch = 0 : i64, scratch_operands = 2 : i64, tpu.core_type = #tpu.core_type<sc_vector_subcore>, window_params = [{transform_indices = #map}, {transform_indices = #map1}, {transform_indices = #map1}, {transform_indices = #map1}]} {
    %eq3A = arith.constant 0 : i32
    %eq3A_0 = arith.cmpi eq, %arg1, %eq3A : i32
    %convert_element_type3A = arith.extui %eq3A_0 : i1 to i32
    %cond3A = arith.constant 0 : i32
    %cond3A_1 = arith.cmpi ne, %convert_element_type3A, %cond3A : i32
    scf.if %cond3A_1 {
      "tpu.region"() ({
        %run_scoped3A = tpu.sem_alloc : memref<!tpu.dma_semaphore, #tpu.memory_space<semaphore_mem>>
        tpu.enqueue_dma source(%arg2 : memref<2016x64xf32, #tpu.memory_space<hbm>>) target(%arg7 : memref<2016x64xf32, #tpu.memory_space<vmem_shared>>) target_semaphore(%run_scoped3A : memref<!tpu.dma_semaphore, #tpu.memory_space<semaphore_mem>>)
        tpu.wait_dma2 semaphore(%run_scoped3A : memref<!tpu.dma_semaphore, #tpu.memory_space<semaphore_mem>>) src(%arg2 : memref<2016x64xf32, #tpu.memory_space<hbm>>) dst(%arg7 : memref<2016x64xf32, #tpu.memory_space<vmem_shared>>)
        tpu.yield
      }) : () -> ()
    } else {
    }
    %barrier3A = arith.constant 0 : index
    tpu.barrier barrier_id(%barrier3A)
    %mul3A = arith.constant 1 : i32
    %mul3A_2 = arith.muli %arg1, %mul3A : i32
    %add3A = arith.constant 0 : i32
    %add3A_3 = arith.addi %add3A, %mul3A_2 : i32
    %mul3A_4 = arith.constant 16 : i32
    %mul3A_5 = arith.muli %arg0, %mul3A_4 : i32
    %add3A_6 = arith.addi %add3A_3, %mul3A_5 : i32
    %mul3A_7 = arith.constant 512 : i32
    %mul3A_8 = arith.muli %add3A_6, %mul3A_7 : i32
    "tpu.region"() ({
      %run_scoped3A = memref.alloca() : memref<2x1x1x100xi32, #tpu.memory_space<vmem>>
      %run_scoped3A_9 = tpu.sem_alloc : memref<2x!tpu.dma_semaphore, #tpu.memory_space<semaphore_mem>>
      %run_scoped3A_10 = memref.alloca() : memref<2x1x1x100xi32, #tpu.memory_space<vmem>>
      %run_scoped3A_11 = tpu.sem_alloc : memref<2x!tpu.dma_semaphore, #tpu.memory_space<semaphore_mem>>
      %run_scoped3A_12 = memref.alloca() : memref<2x1x100x64xf32, #tpu.memory_space<vmem>>
      %run_scoped3A_13 = tpu.sem_alloc : memref<2x!tpu.dma_semaphore, #tpu.memory_space<semaphore_mem>>
      %add3A_14 = arith.constant 0 : i32
      %add3A_15 = arith.addi %add3A_14, %mul3A_8 : i32
      %select_n3A = arith.constant true
      %select_n3A_16 = arith.constant 0 : i32
      %select_n3A_17 = arith.constant -1 : i32
      %select_n3A_18 = arith.select %select_n3A, %select_n3A_17, %select_n3A_16 : i32
      %eq3A_19 = arith.constant -1 : i32
      %eq3A_20 = arith.cmpi eq, %select_n3A_18, %eq3A_19 : i32
      %select_n3A_21 = arith.constant 1 : i32
      %select_n3A_22 = arith.select %eq3A_20, %select_n3A_21, %select_n3A_18 : i32
      %select_n3A_23 = arith.constant 0 : i32
      %select_n3A_24 = arith.constant -1 : i32
      %select_n3A_25 = arith.select %eq3A_20, %select_n3A_24, %select_n3A_23 : i32
      %eq3A_26 = arith.constant -1 : i32
      %eq3A_27 = arith.cmpi eq, %select_n3A_25, %eq3A_26 : i32
      %select_n3A_28 = arith.constant 511 : i32
      %select_n3A_29 = arith.select %eq3A_27, %select_n3A_28, %select_n3A_25 : i32
      %add3A_30 = arith.addi %select_n3A_29, %mul3A_8 : i32
      %add3A_31 = arith.constant 0 : i32
      %add3A_32 = arith.addi %select_n3A_22, %add3A_31 : i32
      %select_n3A_33 = arith.constant true
      %select_n3A_34 = arith.constant 0 : i32
      %select_n3A_35 = arith.constant 1 : i32
      %select_n3A_36 = arith.select %select_n3A_33, %select_n3A_35, %select_n3A_34 : i32
      %eq3A_37 = arith.constant 2 : i32
      %eq3A_38 = arith.cmpi eq, %select_n3A_36, %eq3A_37 : i32
      %select_n3A_39 = arith.constant 0 : i32
      %select_n3A_40 = arith.select %eq3A_38, %select_n3A_39, %select_n3A_36 : i32
      %select_n3A_41 = arith.constant 0 : i32
      %select_n3A_42 = arith.constant 1 : i32
      %select_n3A_43 = arith.select %eq3A_38, %select_n3A_42, %select_n3A_41 : i32
      %eq3A_44 = arith.constant 512 : i32
      %eq3A_45 = arith.cmpi eq, %select_n3A_43, %eq3A_44 : i32
      %select_n3A_46 = arith.constant 0 : i32
      %select_n3A_47 = arith.select %eq3A_45, %select_n3A_46, %select_n3A_43 : i32
      %add3A_48 = arith.addi %select_n3A_47, %mul3A_8 : i32
      %add3A_49 = arith.constant 0 : i32
      %add3A_50 = arith.addi %select_n3A_40, %add3A_49 : i32
      %add3A_51 = arith.constant 1 : i32
      %add3A_52 = arith.addi %select_n3A_40, %add3A_51 : i32
      %select_n3A_53 = arith.constant true
      %select_n3A_54 = arith.select %select_n3A_53, %add3A_52, %select_n3A_40 : i32
      %eq3A_55 = arith.constant 2 : i32
      %eq3A_56 = arith.cmpi eq, %select_n3A_54, %eq3A_55 : i32
      %select_n3A_57 = arith.constant 0 : i32
      %select_n3A_58 = arith.select %eq3A_56, %select_n3A_57, %select_n3A_54 : i32
      %add3A_59 = arith.constant 1 : i32
      %add3A_60 = arith.addi %select_n3A_47, %add3A_59 : i32
      %select_n3A_61 = arith.select %eq3A_56, %add3A_60, %select_n3A_47 : i32
      %eq3A_62 = arith.constant 512 : i32
      %eq3A_63 = arith.cmpi eq, %select_n3A_61, %eq3A_62 : i32
      %select_n3A_64 = arith.constant 0 : i32
      %select_n3A_65 = arith.select %eq3A_63, %select_n3A_64, %select_n3A_61 : i32
      %add3A_66 = arith.addi %select_n3A_65, %mul3A_8 : i32
      %add3A_67 = arith.constant 0 : i32
      %add3A_68 = arith.addi %select_n3A_58, %add3A_67 : i32
      "tpu.trace_start"() <{level = 10 : i32, message = "ep_initialize_0"}> : () -> ()
      %rem3A = arith.constant 0 : i32
      %rem3A_69 = arith.constant 2 : i32
      %rem3A_70 = arith.remui %rem3A, %rem3A_69 : i32
      %mul3A_71 = arith.constant 1 : i32
      %mul3A_72 = arith.muli %mul3A_71, %add3A_15 : i32
      %dma_start3A = arith.constant 0 : i32
      %dma_start3A_73 = arith.constant 0 : i32
      %dma_start3A_74 = arith.constant 0 : i32
      %dma_start3A_75 = tpu.memref_slice %run_scoped3A[%rem3A_70, %dma_start3A, %dma_start3A_73, %dma_start3A_74] : memref<2x1x1x100xi32, #tpu.memory_space<vmem>> -> memref<1x1x1x100xi32, #tpu.memory_space<vmem>>
      %dma_start3A_76 = tpu.memref_squeeze %dma_start3A_75 : memref<1x1x1x100xi32, #tpu.memory_space<vmem>> -> memref<1x1x100xi32, #tpu.memory_space<vmem>>
      %dma_start3A_77 = arith.constant 0 : i32
      %dma_start3A_78 = arith.constant 0 : i32
      %dma_start3A_79 = tpu.memref_slice %arg3[%mul3A_72, %dma_start3A_77, %dma_start3A_78] : memref<16384x2x100xi32, #tpu.memory_space<hbm>> -> memref<1x1x100xi32, #tpu.memory_space<hbm>>
      %dma_start3A_80 = tpu.memref_slice %run_scoped3A_9[%rem3A_70] : memref<2x!tpu.dma_semaphore, #tpu.memory_space<semaphore_mem>> -> memref<1x!tpu.dma_semaphore, #tpu.memory_space<semaphore_mem>>
      %dma_start3A_81 = tpu.memref_squeeze %dma_start3A_80 : memref<1x!tpu.dma_semaphore, #tpu.memory_space<semaphore_mem>> -> memref<!tpu.dma_semaphore, #tpu.memory_space<semaphore_mem>>
      %dma_start3A_82 = arith.constant 0 : i32
      %dma_start3A_83 = arith.constant 0 : i32
      %dma_start3A_84 = arith.constant 0 : i32
      %dma_start3A_85 = tpu.memref_slice %run_scoped3A[%rem3A_70, %dma_start3A_82, %dma_start3A_83, %dma_start3A_84] : memref<2x1x1x100xi32, #tpu.memory_space<vmem>> -> memref<1x1x1x100xi32, #tpu.memory_space<vmem>>
      %dma_start3A_86 = tpu.memref_squeeze %dma_start3A_85 : memref<1x1x1x100xi32, #tpu.memory_space<vmem>> -> memref<1x1x100xi32, #tpu.memory_space<vmem>>
      %dma_start3A_87 = arith.constant 0 : i32
      %dma_start3A_88 = arith.constant 0 : i32
      %dma_start3A_89 = tpu.memref_slice %arg3[%mul3A_72, %dma_start3A_87, %dma_start3A_88] : memref<16384x2x100xi32, #tpu.memory_space<hbm>> -> memref<1x1x100xi32, #tpu.memory_space<hbm>>
      tpu.enqueue_dma source(%dma_start3A_89 : memref<1x1x100xi32, #tpu.memory_space<hbm>>) target(%dma_start3A_86 : memref<1x1x100xi32, #tpu.memory_space<vmem>>) target_semaphore(%dma_start3A_81 : memref<!tpu.dma_semaphore, #tpu.memory_space<semaphore_mem>>)
      %add3A_90 = arith.constant 0 : i32
      %add3A_91 = arith.constant 1 : i32
      %add3A_92 = arith.addi %add3A_90, %add3A_91 : i32
      %select_n3A_93 = arith.constant true
      %select_n3A_94 = arith.constant 0 : i32
      %select_n3A_95 = arith.select %select_n3A_93, %add3A_92, %select_n3A_94 : i32
      %rem3A_96 = arith.constant 0 : i32
      %rem3A_97 = arith.constant 2 : i32
      %rem3A_98 = arith.remui %rem3A_96, %rem3A_97 : i32
      %mul3A_99 = arith.constant 1 : i32
      %mul3A_100 = arith.muli %mul3A_99, %add3A_15 : i32
      %dma_start3A_101 = arith.constant 0 : i32
      %dma_start3A_102 = arith.constant 0 : i32
      %dma_start3A_103 = arith.constant 0 : i32
      %dma_start3A_104 = tpu.memref_slice %run_scoped3A_10[%rem3A_98, %dma_start3A_101, %dma_start3A_102, %dma_start3A_103] : memref<2x1x1x100xi32, #tpu.memory_space<vmem>> -> memref<1x1x1x100xi32, #tpu.memory_space<vmem>>
      %dma_start3A_105 = tpu.memref_squeeze %dma_start3A_104 : memref<1x1x1x100xi32, #tpu.memory_space<vmem>> -> memref<1x1x100xi32, #tpu.memory_space<vmem>>
      %dma_start3A_106 = arith.constant 0 : i32
      %dma_start3A_107 = arith.constant 0 : i32
      %dma_start3A_108 = tpu.memref_slice %arg4[%mul3A_100, %dma_start3A_106, %dma_start3A_107] : memref<16384x2x100xi32, #tpu.memory_space<hbm>> -> memref<1x1x100xi32, #tpu.memory_space<hbm>>
      %dma_start3A_109 = tpu.memref_slice %run_scoped3A_11[%rem3A_98] : memref<2x!tpu.dma_semaphore, #tpu.memory_space<semaphore_mem>> -> memref<1x!tpu.dma_semaphore, #tpu.memory_space<semaphore_mem>>
      %dma_start3A_110 = tpu.memref_squeeze %dma_start3A_109 : memref<1x!tpu.dma_semaphore, #tpu.memory_space<semaphore_mem>> -> memref<!tpu.dma_semaphore, #tpu.memory_space<semaphore_mem>>
      %dma_start3A_111 = arith.constant 0 : i32
      %dma_start3A_112 = arith.constant 0 : i32
      %dma_start3A_113 = arith.constant 0 : i32
      %dma_start3A_114 = tpu.memref_slice %run_scoped3A_10[%rem3A_98, %dma_start3A_111, %dma_start3A_112, %dma_start3A_113] : memref<2x1x1x100xi32, #tpu.memory_space<vmem>> -> memref<1x1x1x100xi32, #tpu.memory_space<vmem>>
      %dma_start3A_115 = tpu.memref_squeeze %dma_start3A_114 : memref<1x1x1x100xi32, #tpu.memory_space<vmem>> -> memref<1x1x100xi32, #tpu.memory_space<vmem>>
      %dma_start3A_116 = arith.constant 0 : i32
      %dma_start3A_117 = arith.constant 0 : i32
      %dma_start3A_118 = tpu.memref_slice %arg4[%mul3A_100, %dma_start3A_116, %dma_start3A_117] : memref<16384x2x100xi32, #tpu.memory_space<hbm>> -> memref<1x1x100xi32, #tpu.memory_space<hbm>>
      tpu.enqueue_dma source(%dma_start3A_118 : memref<1x1x100xi32, #tpu.memory_space<hbm>>) target(%dma_start3A_115 : memref<1x1x100xi32, #tpu.memory_space<vmem>>) target_semaphore(%dma_start3A_110 : memref<!tpu.dma_semaphore, #tpu.memory_space<semaphore_mem>>)
      %add3A_119 = arith.constant 0 : i32
      %add3A_120 = arith.constant 1 : i32
      %add3A_121 = arith.addi %add3A_119, %add3A_120 : i32
      %select_n3A_122 = arith.constant true
      %select_n3A_123 = arith.constant 0 : i32
      %select_n3A_124 = arith.select %select_n3A_122, %add3A_121, %select_n3A_123 : i32
      "tpu.trace_stop"() : () -> ()
      %scan3A = arith.constant 0 : i32
      %scan3A_125 = arith.constant 0 : i32
      %scan3A_126 = arith.constant 0 : i32
      %scan3A_127 = arith.constant 0 : i32
      %scan3A_128 = arith.constant 0 : i32
      %scan3A_129 = arith.constant 0 : i32
      %scan3A_130 = arith.constant 0 : i32
      %scan3A_131 = arith.constant 1024 : i32
      %scan3A_132 = arith.addi %scan3A_130, %scan3A_131 : i32
      %scan3A_133 = arith.constant 1 : i32
      %scan3A_134:8 = scf.for %scan3A_228 = %scan3A_130 to %scan3A_132 step %scan3A_133 iter_args(%scan3A_229 = %select_n3A_95, %scan3A_230 = %scan3A, %scan3A_231 = %select_n3A_124, %scan3A_232 = %scan3A_125, %scan3A_233 = %scan3A_126, %scan3A_234 = %scan3A_127, %scan3A_235 = %scan3A_128, %scan3A_236 = %scan3A_129) -> (i32, i32, i32, i32, i32, i32, i32, i32)  : i32 {
        %eq3A_237 = arith.constant 0 : i32
        %eq3A_238 = arith.cmpi eq, %scan3A_228, %eq3A_237 : i32
        %eq3A_239 = arith.constant 1023 : i32
        %eq3A_240 = arith.cmpi eq, %scan3A_228, %eq3A_239 : i32
        %add3A_241 = arith.addi %scan3A_235, %mul3A_8 : i32
        %add3A_242 = arith.constant 0 : i32
        %add3A_243 = arith.addi %scan3A_236, %add3A_242 : i32
        %sub3A_244 = arith.constant 1 : i32
        %sub3A_245 = arith.subi %scan3A_236, %sub3A_244 : i32
        %select_n3A_246 = arith.constant true
        %select_n3A_247 = arith.select %select_n3A_246, %sub3A_245, %scan3A_236 : i32
        %eq3A_248 = arith.constant -1 : i32
        %eq3A_249 = arith.cmpi eq, %select_n3A_247, %eq3A_248 : i32
        %select_n3A_250 = arith.constant 1 : i32
        %select_n3A_251 = arith.select %eq3A_249, %select_n3A_250, %select_n3A_247 : i32
        %sub3A_252 = arith.constant 1 : i32
        %sub3A_253 = arith.subi %scan3A_235, %sub3A_252 : i32
        %select_n3A_254 = arith.select %eq3A_249, %sub3A_253, %scan3A_235 : i32
        %eq3A_255 = arith.constant -1 : i32
        %eq3A_256 = arith.cmpi eq, %select_n3A_254, %eq3A_255 : i32
        %select_n3A_257 = arith.constant 511 : i32
        %select_n3A_258 = arith.select %eq3A_256, %select_n3A_257, %select_n3A_254 : i32
        %add3A_259 = arith.addi %select_n3A_258, %mul3A_8 : i32
        %add3A_260 = arith.constant 0 : i32
        %add3A_261 = arith.addi %select_n3A_251, %add3A_260 : i32
        %add3A_262 = arith.constant 1 : i32
        %add3A_263 = arith.addi %scan3A_236, %add3A_262 : i32
        %select_n3A_264 = arith.constant true
        %select_n3A_265 = arith.select %select_n3A_264, %add3A_263, %scan3A_236 : i32
        %eq3A_266 = arith.constant 2 : i32
        %eq3A_267 = arith.cmpi eq, %select_n3A_265, %eq3A_266 : i32
        %select_n3A_268 = arith.constant 0 : i32
        %select_n3A_269 = arith.select %eq3A_267, %select_n3A_268, %select_n3A_265 : i32
        %add3A_270 = arith.constant 1 : i32
        %add3A_271 = arith.addi %scan3A_235, %add3A_270 : i32
        %select_n3A_272 = arith.select %eq3A_267, %add3A_271, %scan3A_235 : i32
        %eq3A_273 = arith.constant 512 : i32
        %eq3A_274 = arith.cmpi eq, %select_n3A_272, %eq3A_273 : i32
        %select_n3A_275 = arith.constant 0 : i32
        %select_n3A_276 = arith.select %eq3A_274, %select_n3A_275, %select_n3A_272 : i32
        %add3A_277 = arith.addi %select_n3A_276, %mul3A_8 : i32
        %add3A_278 = arith.constant 0 : i32
        %add3A_279 = arith.addi %select_n3A_269, %add3A_278 : i32
        %add3A_280 = arith.constant 1 : i32
        %add3A_281 = arith.addi %select_n3A_269, %add3A_280 : i32
        %select_n3A_282 = arith.constant true
        %select_n3A_283 = arith.select %select_n3A_282, %add3A_281, %select_n3A_269 : i32
        %eq3A_284 = arith.constant 2 : i32
        %eq3A_285 = arith.cmpi eq, %select_n3A_283, %eq3A_284 : i32
        %select_n3A_286 = arith.constant 0 : i32
        %select_n3A_287 = arith.select %eq3A_285, %select_n3A_286, %select_n3A_283 : i32
        %add3A_288 = arith.constant 1 : i32
        %add3A_289 = arith.addi %select_n3A_276, %add3A_288 : i32
        %select_n3A_290 = arith.select %eq3A_285, %add3A_289, %select_n3A_276 : i32
        %eq3A_291 = arith.constant 512 : i32
        %eq3A_292 = arith.cmpi eq, %select_n3A_290, %eq3A_291 : i32
        %select_n3A_293 = arith.constant 0 : i32
        %select_n3A_294 = arith.select %eq3A_292, %select_n3A_293, %select_n3A_290 : i32
        %add3A_295 = arith.addi %select_n3A_294, %mul3A_8 : i32
        %add3A_296 = arith.constant 0 : i32
        %add3A_297 = arith.addi %select_n3A_287, %add3A_296 : i32
        %ne3A = arith.cmpi ne, %add3A_241, %add3A_277 : i32
        %ne3A_298 = arith.cmpi ne, %add3A_243, %add3A_279 : i32
        %or3A = arith.constant false
        %or3A_299 = arith.ori %or3A, %ne3A : i1
        %or3A_300 = arith.ori %or3A_299, %ne3A_298 : i1
        %or3A_301 = arith.constant false
        %or3A_302 = arith.ori %or3A_300, %or3A_301 : i1
        %ge3A = arith.constant 1023 : i32
        %ge3A_303 = arith.cmpi sge, %scan3A_228, %ge3A : i32
        %not3A = arith.constant true
        %not3A_304 = arith.xori %ge3A_303, %not3A : i1
        %and3A = arith.andi %or3A_302, %not3A_304 : i1
        %convert_element_type3A_305 = arith.extui %and3A : i1 to i32
        %cond3A_306 = arith.constant 0 : i32
        %cond3A_307 = arith.cmpi ne, %convert_element_type3A_305, %cond3A_306 : i32
        scf.if %cond3A_307 {
          "tpu.trace_start"() <{level = 10 : i32, message = "ep_copy_in"}> : () -> ()
          %rem3A_549 = arith.constant 2 : i32
          %rem3A_550 = arith.remui %scan3A_229, %rem3A_549 : i32
          %mul3A_551 = arith.constant 1 : i32
          %mul3A_552 = arith.muli %mul3A_551, %add3A_277 : i32
          %mul3A_553 = arith.constant 1 : i32
          %mul3A_554 = arith.muli %mul3A_553, %add3A_279 : i32
          %dma_start3A_555 = arith.constant 0 : i32
          %dma_start3A_556 = arith.constant 0 : i32
          %dma_start3A_557 = arith.constant 0 : i32
          %dma_start3A_558 = tpu.memref_slice %run_scoped3A[%rem3A_550, %dma_start3A_555, %dma_start3A_556, %dma_start3A_557] : memref<2x1x1x100xi32, #tpu.memory_space<vmem>> -> memref<1x1x1x100xi32, #tpu.memory_space<vmem>>
          %dma_start3A_559 = tpu.memref_squeeze %dma_start3A_558 : memref<1x1x1x100xi32, #tpu.memory_space<vmem>> -> memref<1x1x100xi32, #tpu.memory_space<vmem>>
          %dma_start3A_560 = arith.constant 0 : i32
          %dma_start3A_561 = tpu.memref_slice %arg3[%mul3A_552, %mul3A_554, %dma_start3A_560] : memref<16384x2x100xi32, #tpu.memory_space<hbm>> -> memref<1x1x100xi32, #tpu.memory_space<hbm>>
          %dma_start3A_562 = tpu.memref_slice %run_scoped3A_9[%rem3A_550] : memref<2x!tpu.dma_semaphore, #tpu.memory_space<semaphore_mem>> -> memref<1x!tpu.dma_semaphore, #tpu.memory_space<semaphore_mem>>
          %dma_start3A_563 = tpu.memref_squeeze %dma_start3A_562 : memref<1x!tpu.dma_semaphore, #tpu.memory_space<semaphore_mem>> -> memref<!tpu.dma_semaphore, #tpu.memory_space<semaphore_mem>>
          %dma_start3A_564 = arith.constant 0 : i32
          %dma_start3A_565 = arith.constant 0 : i32
          %dma_start3A_566 = arith.constant 0 : i32
          %dma_start3A_567 = tpu.memref_slice %run_scoped3A[%rem3A_550, %dma_start3A_564, %dma_start3A_565, %dma_start3A_566] : memref<2x1x1x100xi32, #tpu.memory_space<vmem>> -> memref<1x1x1x100xi32, #tpu.memory_space<vmem>>
          %dma_start3A_568 = tpu.memref_squeeze %dma_start3A_567 : memref<1x1x1x100xi32, #tpu.memory_space<vmem>> -> memref<1x1x100xi32, #tpu.memory_space<vmem>>
          %dma_start3A_569 = arith.constant 0 : i32
          %dma_start3A_570 = tpu.memref_slice %arg3[%mul3A_552, %mul3A_554, %dma_start3A_569] : memref<16384x2x100xi32, #tpu.memory_space<hbm>> -> memref<1x1x100xi32, #tpu.memory_space<hbm>>
          tpu.enqueue_dma source(%dma_start3A_570 : memref<1x1x100xi32, #tpu.memory_space<hbm>>) target(%dma_start3A_568 : memref<1x1x100xi32, #tpu.memory_space<vmem>>) target_semaphore(%dma_start3A_563 : memref<!tpu.dma_semaphore, #tpu.memory_space<semaphore_mem>>)
          "tpu.trace_stop"() : () -> ()
        } else {
        }
        %and3A_308 = arith.constant true
        %and3A_309 = arith.andi %and3A, %and3A_308 : i1
        %add3A_310 = arith.constant 1 : i32
        %add3A_311 = arith.addi %scan3A_229, %add3A_310 : i32
        %select_n3A_312 = arith.select %and3A_309, %add3A_311, %scan3A_229 : i32
        %ne3A_313 = arith.cmpi ne, %add3A_241, %add3A_277 : i32
        %ne3A_314 = arith.cmpi ne, %add3A_243, %add3A_279 : i32
        %or3A_315 = arith.constant false
        %or3A_316 = arith.ori %or3A_315, %ne3A_313 : i1
        %or3A_317 = arith.ori %or3A_316, %ne3A_314 : i1
        %or3A_318 = arith.constant false
        %or3A_319 = arith.ori %or3A_317, %or3A_318 : i1
        %ge3A_320 = arith.constant 1023 : i32
        %ge3A_321 = arith.cmpi sge, %scan3A_228, %ge3A_320 : i32
        %not3A_322 = arith.constant true
        %not3A_323 = arith.xori %ge3A_321, %not3A_322 : i1
        %and3A_324 = arith.andi %or3A_319, %not3A_323 : i1
        %convert_element_type3A_325 = arith.extui %and3A_324 : i1 to i32
        %cond3A_326 = arith.constant 0 : i32
        %cond3A_327 = arith.cmpi ne, %convert_element_type3A_325, %cond3A_326 : i32
        scf.if %cond3A_327 {
          "tpu.trace_start"() <{level = 10 : i32, message = "ep_copy_in"}> : () -> ()
          %rem3A_549 = arith.constant 2 : i32
          %rem3A_550 = arith.remui %scan3A_231, %rem3A_549 : i32
          %mul3A_551 = arith.constant 1 : i32
          %mul3A_552 = arith.muli %mul3A_551, %add3A_277 : i32
          %mul3A_553 = arith.constant 1 : i32
          %mul3A_554 = arith.muli %mul3A_553, %add3A_279 : i32
          %dma_start3A_555 = arith.constant 0 : i32
          %dma_start3A_556 = arith.constant 0 : i32
          %dma_start3A_557 = arith.constant 0 : i32
          %dma_start3A_558 = tpu.memref_slice %run_scoped3A_10[%rem3A_550, %dma_start3A_555, %dma_start3A_556, %dma_start3A_557] : memref<2x1x1x100xi32, #tpu.memory_space<vmem>> -> memref<1x1x1x100xi32, #tpu.memory_space<vmem>>
          %dma_start3A_559 = tpu.memref_squeeze %dma_start3A_558 : memref<1x1x1x100xi32, #tpu.memory_space<vmem>> -> memref<1x1x100xi32, #tpu.memory_space<vmem>>
          %dma_start3A_560 = arith.constant 0 : i32
          %dma_start3A_561 = tpu.memref_slice %arg4[%mul3A_552, %mul3A_554, %dma_start3A_560] : memref<16384x2x100xi32, #tpu.memory_space<hbm>> -> memref<1x1x100xi32, #tpu.memory_space<hbm>>
          %dma_start3A_562 = tpu.memref_slice %run_scoped3A_11[%rem3A_550] : memref<2x!tpu.dma_semaphore, #tpu.memory_space<semaphore_mem>> -> memref<1x!tpu.dma_semaphore, #tpu.memory_space<semaphore_mem>>
          %dma_start3A_563 = tpu.memref_squeeze %dma_start3A_562 : memref<1x!tpu.dma_semaphore, #tpu.memory_space<semaphore_mem>> -> memref<!tpu.dma_semaphore, #tpu.memory_space<semaphore_mem>>
          %dma_start3A_564 = arith.constant 0 : i32
          %dma_start3A_565 = arith.constant 0 : i32
          %dma_start3A_566 = arith.constant 0 : i32
          %dma_start3A_567 = tpu.memref_slice %run_scoped3A_10[%rem3A_550, %dma_start3A_564, %dma_start3A_565, %dma_start3A_566] : memref<2x1x1x100xi32, #tpu.memory_space<vmem>> -> memref<1x1x1x100xi32, #tpu.memory_space<vmem>>
          %dma_start3A_568 = tpu.memref_squeeze %dma_start3A_567 : memref<1x1x1x100xi32, #tpu.memory_space<vmem>> -> memref<1x1x100xi32, #tpu.memory_space<vmem>>
          %dma_start3A_569 = arith.constant 0 : i32
          %dma_start3A_570 = tpu.memref_slice %arg4[%mul3A_552, %mul3A_554, %dma_start3A_569] : memref<16384x2x100xi32, #tpu.memory_space<hbm>> -> memref<1x1x100xi32, #tpu.memory_space<hbm>>
          tpu.enqueue_dma source(%dma_start3A_570 : memref<1x1x100xi32, #tpu.memory_space<hbm>>) target(%dma_start3A_568 : memref<1x1x100xi32, #tpu.memory_space<vmem>>) target_semaphore(%dma_start3A_563 : memref<!tpu.dma_semaphore, #tpu.memory_space<semaphore_mem>>)
          "tpu.trace_stop"() : () -> ()
        } else {
        }
        %and3A_328 = arith.constant true
        %and3A_329 = arith.andi %and3A_324, %and3A_328 : i1
        %add3A_330 = arith.constant 1 : i32
        %add3A_331 = arith.addi %scan3A_231, %add3A_330 : i32
        %select_n3A_332 = arith.select %and3A_329, %add3A_331, %scan3A_231 : i32
        %ne3A_333 = arith.cmpi ne, %add3A_241, %add3A_277 : i32
        %ne3A_334 = arith.cmpi ne, %add3A_243, %add3A_279 : i32
        %or3A_335 = arith.constant false
        %or3A_336 = arith.ori %or3A_335, %ne3A_333 : i1
        %or3A_337 = arith.ori %or3A_336, %ne3A_334 : i1
        %or3A_338 = arith.constant false
        %or3A_339 = arith.ori %or3A_337, %or3A_338 : i1
        %ge3A_340 = arith.constant 1023 : i32
        %ge3A_341 = arith.cmpi sge, %scan3A_228, %ge3A_340 : i32
        %not3A_342 = arith.constant true
        %not3A_343 = arith.xori %ge3A_341, %not3A_342 : i1
        %and3A_344 = arith.andi %or3A_339, %not3A_343 : i1
        %ne3A_345 = arith.cmpi ne, %add3A_241, %add3A_259 : i32
        %ne3A_346 = arith.cmpi ne, %add3A_243, %add3A_261 : i32
        %or3A_347 = arith.constant false
        %or3A_348 = arith.ori %or3A_347, %ne3A_345 : i1
        %or3A_349 = arith.ori %or3A_348, %ne3A_346 : i1
        %or3A_350 = arith.constant false
        %or3A_351 = arith.ori %or3A_349, %or3A_350 : i1
        %or3A_352 = arith.ori %or3A_351, %eq3A_238 : i1
        %convert_element_type3A_353 = arith.extui %or3A_352 : i1 to i32
        %cond3A_354 = arith.constant 0 : i32
        %cond3A_355 = arith.cmpi ne, %convert_element_type3A_353, %cond3A_354 : i32
        scf.if %cond3A_355 {
          "tpu.trace_start"() <{level = 10 : i32, message = "ep_wait_in"}> : () -> ()
          %mul3A_549 = arith.constant 1 : i32
          %mul3A_550 = arith.muli %mul3A_549, %add3A_241 : i32
          %mul3A_551 = arith.constant 1 : i32
          %mul3A_552 = arith.muli %mul3A_551, %add3A_243 : i32
          %rem3A_553 = arith.constant 2 : i32
          %rem3A_554 = arith.remui %scan3A_230, %rem3A_553 : i32
          %dma_wait3A_555 = arith.constant 0 : i32
          %dma_wait3A_556 = arith.constant 0 : i32
          %dma_wait3A_557 = arith.constant 0 : i32
          %dma_wait3A_558 = tpu.memref_slice %run_scoped3A[%rem3A_554, %dma_wait3A_555, %dma_wait3A_556, %dma_wait3A_557] : memref<2x1x1x100xi32, #tpu.memory_space<vmem>> -> memref<1x1x1x100xi32, #tpu.memory_space<vmem>>
          %dma_wait3A_559 = tpu.memref_squeeze %dma_wait3A_558 : memref<1x1x1x100xi32, #tpu.memory_space<vmem>> -> memref<1x1x100xi32, #tpu.memory_space<vmem>>
          %dma_wait3A_560 = arith.constant 0 : i32
          %dma_wait3A_561 = tpu.memref_slice %arg3[%mul3A_550, %mul3A_552, %dma_wait3A_560] : memref<16384x2x100xi32, #tpu.memory_space<hbm>> -> memref<1x1x100xi32, #tpu.memory_space<hbm>>
          %dma_wait3A_562 = tpu.memref_slice %run_scoped3A_9[%rem3A_554] : memref<2x!tpu.dma_semaphore, #tpu.memory_space<semaphore_mem>> -> memref<1x!tpu.dma_semaphore, #tpu.memory_space<semaphore_mem>>
          %dma_wait3A_563 = tpu.memref_squeeze %dma_wait3A_562 : memref<1x!tpu.dma_semaphore, #tpu.memory_space<semaphore_mem>> -> memref<!tpu.dma_semaphore, #tpu.memory_space<semaphore_mem>>
          %dma_wait3A_564 = arith.constant 0 : i32
          %dma_wait3A_565 = arith.constant 0 : i32
          %dma_wait3A_566 = arith.constant 0 : i32
          %dma_wait3A_567 = tpu.memref_slice %run_scoped3A[%rem3A_554, %dma_wait3A_564, %dma_wait3A_565, %dma_wait3A_566] : memref<2x1x1x100xi32, #tpu.memory_space<vmem>> -> memref<1x1x1x100xi32, #tpu.memory_space<vmem>>
          %dma_wait3A_568 = tpu.memref_squeeze %dma_wait3A_567 : memref<1x1x1x100xi32, #tpu.memory_space<vmem>> -> memref<1x1x100xi32, #tpu.memory_space<vmem>>
          %dma_wait3A_569 = arith.constant 0 : i32
          %dma_wait3A_570 = tpu.memref_slice %arg3[%mul3A_550, %mul3A_552, %dma_wait3A_569] : memref<16384x2x100xi32, #tpu.memory_space<hbm>> -> memref<1x1x100xi32, #tpu.memory_space<hbm>>
          tpu.wait_dma2 semaphore(%dma_wait3A_563 : memref<!tpu.dma_semaphore, #tpu.memory_space<semaphore_mem>>) src(%dma_wait3A_570 : memref<1x1x100xi32, #tpu.memory_space<hbm>>) dst(%dma_wait3A_568 : memref<1x1x100xi32, #tpu.memory_space<vmem>>)
          "tpu.trace_stop"() : () -> ()
        } else {
        }
        %ne3A_356 = arith.cmpi ne, %add3A_241, %add3A_259 : i32
        %ne3A_357 = arith.cmpi ne, %add3A_243, %add3A_261 : i32
        %or3A_358 = arith.constant false
        %or3A_359 = arith.ori %or3A_358, %ne3A_356 : i1
        %or3A_360 = arith.ori %or3A_359, %ne3A_357 : i1
        %or3A_361 = arith.constant false
        %or3A_362 = arith.ori %or3A_360, %or3A_361 : i1
        %or3A_363 = arith.ori %or3A_362, %eq3A_238 : i1
        %convert_element_type3A_364 = arith.extui %or3A_363 : i1 to i32
        %cond3A_365 = arith.constant 0 : i32
        %cond3A_366 = arith.cmpi ne, %convert_element_type3A_364, %cond3A_365 : i32
        scf.if %cond3A_366 {
          "tpu.trace_start"() <{level = 10 : i32, message = "ep_wait_in"}> : () -> ()
          %mul3A_549 = arith.constant 1 : i32
          %mul3A_550 = arith.muli %mul3A_549, %add3A_241 : i32
          %mul3A_551 = arith.constant 1 : i32
          %mul3A_552 = arith.muli %mul3A_551, %add3A_243 : i32
          %rem3A_553 = arith.constant 2 : i32
          %rem3A_554 = arith.remui %scan3A_232, %rem3A_553 : i32
          %dma_wait3A_555 = arith.constant 0 : i32
          %dma_wait3A_556 = arith.constant 0 : i32
          %dma_wait3A_557 = arith.constant 0 : i32
          %dma_wait3A_558 = tpu.memref_slice %run_scoped3A_10[%rem3A_554, %dma_wait3A_555, %dma_wait3A_556, %dma_wait3A_557] : memref<2x1x1x100xi32, #tpu.memory_space<vmem>> -> memref<1x1x1x100xi32, #tpu.memory_space<vmem>>
          %dma_wait3A_559 = tpu.memref_squeeze %dma_wait3A_558 : memref<1x1x1x100xi32, #tpu.memory_space<vmem>> -> memref<1x1x100xi32, #tpu.memory_space<vmem>>
          %dma_wait3A_560 = arith.constant 0 : i32
          %dma_wait3A_561 = tpu.memref_slice %arg4[%mul3A_550, %mul3A_552, %dma_wait3A_560] : memref<16384x2x100xi32, #tpu.memory_space<hbm>> -> memref<1x1x100xi32, #tpu.memory_space<hbm>>
          %dma_wait3A_562 = tpu.memref_slice %run_scoped3A_11[%rem3A_554] : memref<2x!tpu.dma_semaphore, #tpu.memory_space<semaphore_mem>> -> memref<1x!tpu.dma_semaphore, #tpu.memory_space<semaphore_mem>>
          %dma_wait3A_563 = tpu.memref_squeeze %dma_wait3A_562 : memref<1x!tpu.dma_semaphore, #tpu.memory_space<semaphore_mem>> -> memref<!tpu.dma_semaphore, #tpu.memory_space<semaphore_mem>>
          %dma_wait3A_564 = arith.constant 0 : i32
          %dma_wait3A_565 = arith.constant 0 : i32
          %dma_wait3A_566 = arith.constant 0 : i32
          %dma_wait3A_567 = tpu.memref_slice %run_scoped3A_10[%rem3A_554, %dma_wait3A_564, %dma_wait3A_565, %dma_wait3A_566] : memref<2x1x1x100xi32, #tpu.memory_space<vmem>> -> memref<1x1x1x100xi32, #tpu.memory_space<vmem>>
          %dma_wait3A_568 = tpu.memref_squeeze %dma_wait3A_567 : memref<1x1x1x100xi32, #tpu.memory_space<vmem>> -> memref<1x1x100xi32, #tpu.memory_space<vmem>>
          %dma_wait3A_569 = arith.constant 0 : i32
          %dma_wait3A_570 = tpu.memref_slice %arg4[%mul3A_550, %mul3A_552, %dma_wait3A_569] : memref<16384x2x100xi32, #tpu.memory_space<hbm>> -> memref<1x1x100xi32, #tpu.memory_space<hbm>>
          tpu.wait_dma2 semaphore(%dma_wait3A_563 : memref<!tpu.dma_semaphore, #tpu.memory_space<semaphore_mem>>) src(%dma_wait3A_570 : memref<1x1x100xi32, #tpu.memory_space<hbm>>) dst(%dma_wait3A_568 : memref<1x1x100xi32, #tpu.memory_space<vmem>>)
          "tpu.trace_stop"() : () -> ()
        } else {
        }
        %ne3A_367 = arith.cmpi ne, %add3A_241, %add3A_259 : i32
        %ne3A_368 = arith.cmpi ne, %add3A_243, %add3A_261 : i32
        %or3A_369 = arith.constant false
        %or3A_370 = arith.ori %or3A_369, %ne3A_367 : i1
        %or3A_371 = arith.ori %or3A_370, %ne3A_368 : i1
        %or3A_372 = arith.constant false
        %or3A_373 = arith.ori %or3A_371, %or3A_372 : i1
        %or3A_374 = arith.ori %or3A_373, %eq3A_238 : i1
        %convert_element_type3A_375 = arith.extui %or3A_374 : i1 to i32
        %cond3A_376 = arith.constant 0 : i32
        %cond3A_377 = arith.cmpi ne, %convert_element_type3A_375, %cond3A_376 : i32
        scf.if %cond3A_377 {
        } else {
        }
        %rem3A_378 = arith.constant 2 : i32
        %rem3A_379 = arith.remui %scan3A_230, %rem3A_378 : i32
        %rem3A_380 = arith.constant 2 : i32
        %rem3A_381 = arith.remui %scan3A_232, %rem3A_380 : i32
        %rem3A_382 = arith.constant 2 : i32
        %rem3A_383 = arith.remui %scan3A_233, %rem3A_382 : i32
        "tpu.trace_start"() <{level = 10 : i32, message = "ep_run_kernel"}> : () -> ()
        %scan3A_384 = arith.constant 0 : i32
        %scan3A_385 = arith.constant 6 : i32
        %scan3A_386 = arith.addi %scan3A_384, %scan3A_385 : i32
        %scan3A_387 = arith.constant 1 : i32
        scf.for %scan3A_549 = %scan3A_384 to %scan3A_386 step %scan3A_387  : i32 {
          %mul3A_550 = arith.constant 16 : i32
          %mul3A_551 = arith.muli %scan3A_549, %mul3A_550 : i32
          %add3A_552 = arith.constant 0 : i32
          %add3A_553 = arith.addi %add3A_552, %mul3A_551 : i32
          %get3A_554 = arith.constant 0 : i32
          %get3A_555 = arith.constant 0 : i32
          %get3A_556 = arith.constant 0 : i32
          %get3A_557 = arith.constant 0 : i32
          %get3A_558 = arith.constant 0 : i32
          %get3A_559 = tpu.memref_slice %run_scoped3A[%rem3A_379, %get3A_556, %get3A_557, %get3A_558] : memref<2x1x1x100xi32, #tpu.memory_space<vmem>> -> memref<1x1x1x100xi32, #tpu.memory_space<vmem>>
          %get3A_560 = tpu.memref_squeeze %get3A_559 : memref<1x1x1x100xi32, #tpu.memory_space<vmem>> -> memref<1x1x100xi32, #tpu.memory_space<vmem>>
          %get3A_561 = arith.constant 0 : i32
          %get3A_562 = tpu.memref_slice %get3A_560[%get3A_554, %get3A_555, %get3A_561] : memref<1x1x100xi32, #tpu.memory_space<vmem>> -> memref<1x1x100xi32, #tpu.memory_space<vmem>>
          %get3A_563 = tpu.memref_squeeze %get3A_562 : memref<1x1x100xi32, #tpu.memory_space<vmem>> -> memref<100xi32, #tpu.memory_space<vmem>>
          %get3A_564 = arith.index_cast %add3A_553 : i32 to index
          %get3A_565 = tpu.vector_load %get3A_563[%get3A_564] {strides = array<i32>} : memref<100xi32, #tpu.memory_space<vmem>>, vector<16xi32>,
          %get3A_566 = vector.shape_cast %get3A_565 : vector<16xi32> to vector<16xi32>
          %mul3A_567 = arith.constant 288 : i32
          %mul3A_568 = vector.broadcast %mul3A_567 : i32 to vector<16xi32>
          %mul3A_569 = arith.muli %get3A_566, %mul3A_568 : vector<16xi32>
          %get3A_570 = arith.constant 0 : i32
          %get3A_571 = arith.constant 0 : i32
          %get3A_572 = arith.constant 0 : i32
          %get3A_573 = arith.constant 0 : i32
          %get3A_574 = arith.constant 0 : i32
          %get3A_575 = tpu.memref_slice %run_scoped3A_10[%rem3A_381, %get3A_572, %get3A_573, %get3A_574] : memref<2x1x1x100xi32, #tpu.memory_space<vmem>> -> memref<1x1x1x100xi32, #tpu.memory_space<vmem>>
          %get3A_576 = tpu.memref_squeeze %get3A_575 : memref<1x1x1x100xi32, #tpu.memory_space<vmem>> -> memref<1x1x100xi32, #tpu.memory_space<vmem>>
          %get3A_577 = arith.constant 0 : i32
          %get3A_578 = tpu.memref_slice %get3A_576[%get3A_570, %get3A_571, %get3A_577] : memref<1x1x100xi32, #tpu.memory_space<vmem>> -> memref<1x1x100xi32, #tpu.memory_space<vmem>>
          %get3A_579 = tpu.memref_squeeze %get3A_578 : memref<1x1x100xi32, #tpu.memory_space<vmem>> -> memref<100xi32, #tpu.memory_space<vmem>>
          %get3A_580 = arith.index_cast %add3A_553 : i32 to index
          %get3A_581 = tpu.vector_load %get3A_579[%get3A_580] {strides = array<i32>} : memref<100xi32, #tpu.memory_space<vmem>>, vector<16xi32>,
          %get3A_582 = vector.shape_cast %get3A_581 : vector<16xi32> to vector<16xi32>
          %add3A_583 = arith.addi %mul3A_569, %get3A_582 : vector<16xi32>
          %swap3A_584 = arith.index_cast %add3A_553 : i32 to index
          %swap3A_585 = tpu.vector_load %arg6[%swap3A_584] {strides = array<i32>} : memref<100xi32, #tpu.memory_space<vmem>>, vector<16xi32>,
          %swap3A_586 = vector.shape_cast %swap3A_585 : vector<16xi32> to vector<16xi32>
          %swap3A_587 = vector.shape_cast %add3A_583 : vector<16xi32> to vector<16xi32>
          tpu.vector_store %arg6[%swap3A_584], %swap3A_587 {strides = array<i32>} : memref<100xi32, #tpu.memory_space<vmem>>, vector<16xi32>,
        }
        %scan3A_388 = arith.constant 6 : i32
        %get3A = arith.constant 0 : i32
        %get3A_389 = arith.constant 0 : i32
        %get3A_390 = arith.constant 0 : i32
        %get3A_391 = arith.constant 0 : i32
        %get3A_392 = arith.constant 0 : i32
        %get3A_393 = tpu.memref_slice %run_scoped3A[%rem3A_379, %get3A_390, %get3A_391, %get3A_392] : memref<2x1x1x100xi32, #tpu.memory_space<vmem>> -> memref<1x1x1x100xi32, #tpu.memory_space<vmem>>
        %get3A_394 = tpu.memref_squeeze %get3A_393 : memref<1x1x1x100xi32, #tpu.memory_space<vmem>> -> memref<1x1x100xi32, #tpu.memory_space<vmem>>
        %get3A_395 = arith.constant 0 : i32
        %get3A_396 = tpu.memref_slice %get3A_394[%get3A, %get3A_389, %get3A_395] : memref<1x1x100xi32, #tpu.memory_space<vmem>> -> memref<1x1x100xi32, #tpu.memory_space<vmem>>
        %get3A_397 = tpu.memref_squeeze %get3A_396 : memref<1x1x100xi32, #tpu.memory_space<vmem>> -> memref<100xi32, #tpu.memory_space<vmem>>
        %get3A_398 = arith.constant 84 : index
        %get3A_399 = tpu.vector_load %get3A_397[%get3A_398] {strides = array<i32>} : memref<100xi32, #tpu.memory_space<vmem>>, vector<16xi32>,
        %get3A_400 = vector.shape_cast %get3A_399 : vector<16xi32> to vector<16xi32>
        %mul3A_401 = arith.constant 288 : i32
        %mul3A_402 = vector.broadcast %mul3A_401 : i32 to vector<16xi32>
        %mul3A_403 = arith.muli %get3A_400, %mul3A_402 : vector<16xi32>
        %get3A_404 = arith.constant 0 : i32
        %get3A_405 = arith.constant 0 : i32
        %get3A_406 = arith.constant 0 : i32
        %get3A_407 = arith.constant 0 : i32
        %get3A_408 = arith.constant 0 : i32
        %get3A_409 = tpu.memref_slice %run_scoped3A_10[%rem3A_381, %get3A_406, %get3A_407, %get3A_408] : memref<2x1x1x100xi32, #tpu.memory_space<vmem>> -> memref<1x1x1x100xi32, #tpu.memory_space<vmem>>
        %get3A_410 = tpu.memref_squeeze %get3A_409 : memref<1x1x1x100xi32, #tpu.memory_space<vmem>> -> memref<1x1x100xi32, #tpu.memory_space<vmem>>
        %get3A_411 = arith.constant 0 : i32
        %get3A_412 = tpu.memref_slice %get3A_410[%get3A_404, %get3A_405, %get3A_411] : memref<1x1x100xi32, #tpu.memory_space<vmem>> -> memref<1x1x100xi32, #tpu.memory_space<vmem>>
        %get3A_413 = tpu.memref_squeeze %get3A_412 : memref<1x1x100xi32, #tpu.memory_space<vmem>> -> memref<100xi32, #tpu.memory_space<vmem>>
        %get3A_414 = arith.constant 84 : index
        %get3A_415 = tpu.vector_load %get3A_413[%get3A_414] {strides = array<i32>} : memref<100xi32, #tpu.memory_space<vmem>>, vector<16xi32>,
        %get3A_416 = vector.shape_cast %get3A_415 : vector<16xi32> to vector<16xi32>
        %add3A_417 = arith.addi %mul3A_403, %get3A_416 : vector<16xi32>
        %swap3A = arith.constant 84 : index
        %swap3A_418 = tpu.vector_load %arg6[%swap3A] {strides = array<i32>} : memref<100xi32, #tpu.memory_space<vmem>>, vector<16xi32>,
        %swap3A_419 = vector.shape_cast %swap3A_418 : vector<16xi32> to vector<16xi32>
        %swap3A_420 = vector.shape_cast %add3A_417 : vector<16xi32> to vector<16xi32>
        tpu.vector_store %arg6[%swap3A], %swap3A_420 {strides = array<i32>} : memref<100xi32, #tpu.memory_space<vmem>>, vector<16xi32>,
        %run_scoped3A_421 = arith.constant 0 : i32
        "tpu.region"() ({
          %run_scoped3A_549 = tpu.sem_alloc : memref<!tpu.dma_semaphore, #tpu.memory_space<semaphore_mem>>
          %dma_start3A_550 = arith.constant 0 : i32
          %dma_start3A_551 = arith.constant 0 : i32
          %dma_start3A_552 = arith.constant 0 : i32
          %dma_start3A_553 = tpu.memref_slice %run_scoped3A_12[%rem3A_383, %dma_start3A_550, %dma_start3A_551, %dma_start3A_552] : memref<2x1x100x64xf32, #tpu.memory_space<vmem>> -> memref<1x1x100x64xf32, #tpu.memory_space<vmem>>
          %dma_start3A_554 = tpu.memref_squeeze %dma_start3A_553 : memref<1x1x100x64xf32, #tpu.memory_space<vmem>> -> memref<1x100x64xf32, #tpu.memory_space<vmem>>
          %dma_start3A_555 = arith.constant 0 : i32
          %dma_start3A_556 = arith.constant 0 : i32
          %dma_start3A_557 = tpu.memref_slice %dma_start3A_554[%run_scoped3A_421, %dma_start3A_555, %dma_start3A_556] : memref<1x100x64xf32, #tpu.memory_space<vmem>> -> memref<1x100x64xf32, #tpu.memory_space<vmem>>
          %dma_start3A_558 = tpu.memref_squeeze %dma_start3A_557 : memref<1x100x64xf32, #tpu.memory_space<vmem>> -> memref<100x64xf32, #tpu.memory_space<vmem>>
          %dma_start3A_559 = arith.constant 0 : i32
          %dma_start3A_560 = arith.constant 0 : i32
          %dma_start3A_561 = tpu.memref_slice %arg7[%dma_start3A_559, %dma_start3A_560] : memref<2016x64xf32, #tpu.memory_space<vmem_shared>> -> memref<2016x64xf32, #tpu.memory_space<vmem_shared>>
          tpu.enqueue_indirect_dma source(%dma_start3A_561 : memref<2016x64xf32, #tpu.memory_space<vmem_shared>>) target(%dma_start3A_558 : memref<100x64xf32, #tpu.memory_space<vmem>>) offsets(%arg6 : memref<100xi32, #tpu.memory_space<vmem>>) semaphore(%run_scoped3A_549 : memref<!tpu.dma_semaphore, #tpu.memory_space<semaphore_mem>>)
          %dma_wait3A_562 = arith.constant 0 : i32
          %dma_wait3A_563 = arith.constant 0 : i32
          %dma_wait3A_564 = arith.constant 0 : i32
          %dma_wait3A_565 = tpu.memref_slice %run_scoped3A_12[%rem3A_383, %dma_wait3A_562, %dma_wait3A_563, %dma_wait3A_564] : memref<2x1x100x64xf32, #tpu.memory_space<vmem>> -> memref<1x1x100x64xf32, #tpu.memory_space<vmem>>
          %dma_wait3A_566 = tpu.memref_squeeze %dma_wait3A_565 : memref<1x1x100x64xf32, #tpu.memory_space<vmem>> -> memref<1x100x64xf32, #tpu.memory_space<vmem>>
          %dma_wait3A_567 = arith.constant 0 : i32
          %dma_wait3A_568 = arith.constant 0 : i32
          %dma_wait3A_569 = tpu.memref_slice %dma_wait3A_566[%run_scoped3A_421, %dma_wait3A_567, %dma_wait3A_568] : memref<1x100x64xf32, #tpu.memory_space<vmem>> -> memref<1x100x64xf32, #tpu.memory_space<vmem>>
          %dma_wait3A_570 = tpu.memref_squeeze %dma_wait3A_569 : memref<1x100x64xf32, #tpu.memory_space<vmem>> -> memref<100x64xf32, #tpu.memory_space<vmem>>
          %dma_wait3A_571 = arith.constant 0 : i32
          %dma_wait3A_572 = arith.constant 0 : i32
          %dma_wait3A_573 = tpu.memref_slice %arg7[%dma_wait3A_571, %dma_wait3A_572] : memref<2016x64xf32, #tpu.memory_space<vmem_shared>> -> memref<2016x64xf32, #tpu.memory_space<vmem_shared>>
          tpu.wait_indirect_dma semaphore(%run_scoped3A_549 : memref<!tpu.dma_semaphore, #tpu.memory_space<semaphore_mem>>) src(%dma_wait3A_573 : memref<2016x64xf32, #tpu.memory_space<vmem_shared>>) dst(%dma_wait3A_570 : memref<100x64xf32, #tpu.memory_space<vmem>>)
          tpu.yield
        }) : () -> ()
        "tpu.trace_stop"() : () -> ()
        %ne3A_422 = arith.cmpi ne, %add3A_241, %add3A_277 : i32
        %ne3A_423 = arith.cmpi ne, %add3A_243, %add3A_279 : i32
        %or3A_424 = arith.constant false
        %or3A_425 = arith.ori %or3A_424, %ne3A_422 : i1
        %or3A_426 = arith.ori %or3A_425, %ne3A_423 : i1
        %or3A_427 = arith.constant false
        %or3A_428 = arith.ori %or3A_426, %or3A_427 : i1
        %or3A_429 = arith.ori %or3A_428, %eq3A_240 : i1
        %convert_element_type3A_430 = arith.extui %or3A_429 : i1 to i32
        %cond3A_431 = arith.constant 0 : i32
        %cond3A_432 = arith.cmpi ne, %convert_element_type3A_430, %cond3A_431 : i32
        scf.if %cond3A_432 {
        } else {
        }
        %and3A_433 = arith.constant false
        %and3A_434 = arith.andi %or3A_429, %and3A_433 : i1
        %ne3A_435 = arith.cmpi ne, %add3A_241, %add3A_277 : i32
        %ne3A_436 = arith.cmpi ne, %add3A_243, %add3A_279 : i32
        %or3A_437 = arith.constant false
        %or3A_438 = arith.ori %or3A_437, %ne3A_435 : i1
        %or3A_439 = arith.ori %or3A_438, %ne3A_436 : i1
        %or3A_440 = arith.constant false
        %or3A_441 = arith.ori %or3A_439, %or3A_440 : i1
        %or3A_442 = arith.ori %or3A_441, %eq3A_240 : i1
        %convert_element_type3A_443 = arith.extui %or3A_442 : i1 to i32
        %cond3A_444 = arith.constant 0 : i32
        %cond3A_445 = arith.cmpi ne, %convert_element_type3A_443, %cond3A_444 : i32
        scf.if %cond3A_445 {
        } else {
        }
        %and3A_446 = arith.constant false
        %and3A_447 = arith.andi %or3A_442, %and3A_446 : i1
        %ne3A_448 = arith.cmpi ne, %add3A_241, %add3A_277 : i32
        %ne3A_449 = arith.cmpi ne, %add3A_243, %add3A_279 : i32
        %or3A_450 = arith.constant false
        %or3A_451 = arith.ori %or3A_450, %ne3A_448 : i1
        %or3A_452 = arith.ori %or3A_451, %ne3A_449 : i1
        %or3A_453 = arith.constant false
        %or3A_454 = arith.ori %or3A_452, %or3A_453 : i1
        %or3A_455 = arith.ori %or3A_454, %eq3A_240 : i1
        %convert_element_type3A_456 = arith.extui %or3A_455 : i1 to i32
        %cond3A_457 = arith.constant 0 : i32
        %cond3A_458 = arith.cmpi ne, %convert_element_type3A_456, %cond3A_457 : i32
        scf.if %cond3A_458 {
          "tpu.trace_start"() <{level = 10 : i32, message = "ep_copy_out"}> : () -> ()
          %rem3A_549 = arith.constant 2 : i32
          %rem3A_550 = arith.remui %scan3A_233, %rem3A_549 : i32
          %mul3A_551 = arith.constant 1 : i32
          %mul3A_552 = arith.muli %mul3A_551, %add3A_241 : i32
          %mul3A_553 = arith.constant 100 : i32
          %mul3A_554 = arith.muli %mul3A_553, %add3A_243 : i32
          %dma_start3A_555 = arith.constant 0 : i32
          %dma_start3A_556 = arith.constant 0 : i32
          %dma_start3A_557 = arith.constant 0 : i32
          %dma_start3A_558 = tpu.memref_slice %run_scoped3A_12[%rem3A_550, %dma_start3A_555, %dma_start3A_556, %dma_start3A_557] : memref<2x1x100x64xf32, #tpu.memory_space<vmem>> -> memref<1x1x100x64xf32, #tpu.memory_space<vmem>>
          %dma_start3A_559 = tpu.memref_squeeze %dma_start3A_558 : memref<1x1x100x64xf32, #tpu.memory_space<vmem>> -> memref<1x100x64xf32, #tpu.memory_space<vmem>>
          %dma_start3A_560 = arith.constant 0 : i32
          %dma_start3A_561 = tpu.memref_slice %arg5[%mul3A_552, %mul3A_554, %dma_start3A_560] : memref<16384x200x64xf32, #tpu.memory_space<hbm>> -> memref<1x100x64xf32, #tpu.memory_space<hbm>>
          %dma_start3A_562 = tpu.memref_slice %run_scoped3A_13[%rem3A_550] : memref<2x!tpu.dma_semaphore, #tpu.memory_space<semaphore_mem>> -> memref<1x!tpu.dma_semaphore, #tpu.memory_space<semaphore_mem>>
          %dma_start3A_563 = tpu.memref_squeeze %dma_start3A_562 : memref<1x!tpu.dma_semaphore, #tpu.memory_space<semaphore_mem>> -> memref<!tpu.dma_semaphore, #tpu.memory_space<semaphore_mem>>
          %dma_start3A_564 = arith.constant 0 : i32
          %dma_start3A_565 = tpu.memref_slice %arg5[%mul3A_552, %mul3A_554, %dma_start3A_564] : memref<16384x200x64xf32, #tpu.memory_space<hbm>> -> memref<1x100x64xf32, #tpu.memory_space<hbm>>
          %dma_start3A_566 = arith.constant 0 : i32
          %dma_start3A_567 = arith.constant 0 : i32
          %dma_start3A_568 = arith.constant 0 : i32
          %dma_start3A_569 = tpu.memref_slice %run_scoped3A_12[%rem3A_550, %dma_start3A_566, %dma_start3A_567, %dma_start3A_568] : memref<2x1x100x64xf32, #tpu.memory_space<vmem>> -> memref<1x1x100x64xf32, #tpu.memory_space<vmem>>
          %dma_start3A_570 = tpu.memref_squeeze %dma_start3A_569 : memref<1x1x100x64xf32, #tpu.memory_space<vmem>> -> memref<1x100x64xf32, #tpu.memory_space<vmem>>
          tpu.enqueue_dma source(%dma_start3A_570 : memref<1x100x64xf32, #tpu.memory_space<vmem>>) target(%dma_start3A_565 : memref<1x100x64xf32, #tpu.memory_space<hbm>>) target_semaphore(%dma_start3A_563 : memref<!tpu.dma_semaphore, #tpu.memory_space<semaphore_mem>>)
          "tpu.trace_stop"() : () -> ()
        } else {
        }
        %and3A_459 = arith.constant true
        %and3A_460 = arith.andi %or3A_455, %and3A_459 : i1
        %add3A_461 = arith.constant 1 : i32
        %add3A_462 = arith.addi %scan3A_233, %add3A_461 : i32
        %select_n3A_463 = arith.select %and3A_460, %add3A_462, %scan3A_233 : i32
        %ne3A_464 = arith.cmpi ne, %add3A_241, %add3A_259 : i32
        %ne3A_465 = arith.cmpi ne, %add3A_243, %add3A_261 : i32
        %or3A_466 = arith.constant false
        %or3A_467 = arith.ori %or3A_466, %ne3A_464 : i1
        %or3A_468 = arith.ori %or3A_467, %ne3A_465 : i1
        %or3A_469 = arith.constant false
        %or3A_470 = arith.ori %or3A_468, %or3A_469 : i1
        %not3A_471 = arith.constant true
        %not3A_472 = arith.xori %eq3A_238, %not3A_471 : i1
        %and3A_473 = arith.andi %or3A_470, %not3A_472 : i1
        %convert_element_type3A_474 = arith.extui %and3A_473 : i1 to i32
        %cond3A_475 = arith.constant 0 : i32
        %cond3A_476 = arith.cmpi ne, %convert_element_type3A_474, %cond3A_475 : i32
        scf.if %cond3A_476 {
        } else {
        }
        %and3A_477 = arith.constant false
        %and3A_478 = arith.andi %and3A_473, %and3A_477 : i1
        %ne3A_479 = arith.cmpi ne, %add3A_241, %add3A_259 : i32
        %ne3A_480 = arith.cmpi ne, %add3A_243, %add3A_261 : i32
        %or3A_481 = arith.constant false
        %or3A_482 = arith.ori %or3A_481, %ne3A_479 : i1
        %or3A_483 = arith.ori %or3A_482, %ne3A_480 : i1
        %or3A_484 = arith.constant false
        %or3A_485 = arith.ori %or3A_483, %or3A_484 : i1
        %not3A_486 = arith.constant true
        %not3A_487 = arith.xori %eq3A_238, %not3A_486 : i1
        %and3A_488 = arith.andi %or3A_485, %not3A_487 : i1
        %convert_element_type3A_489 = arith.extui %and3A_488 : i1 to i32
        %cond3A_490 = arith.constant 0 : i32
        %cond3A_491 = arith.cmpi ne, %convert_element_type3A_489, %cond3A_490 : i32
        scf.if %cond3A_491 {
        } else {
        }
        %and3A_492 = arith.constant false
        %and3A_493 = arith.andi %and3A_488, %and3A_492 : i1
        %ne3A_494 = arith.cmpi ne, %add3A_241, %add3A_259 : i32
        %ne3A_495 = arith.cmpi ne, %add3A_243, %add3A_261 : i32
        %or3A_496 = arith.constant false
        %or3A_497 = arith.ori %or3A_496, %ne3A_494 : i1
        %or3A_498 = arith.ori %or3A_497, %ne3A_495 : i1
        %or3A_499 = arith.constant false
        %or3A_500 = arith.ori %or3A_498, %or3A_499 : i1
        %not3A_501 = arith.constant true
        %not3A_502 = arith.xori %eq3A_238, %not3A_501 : i1
        %and3A_503 = arith.andi %or3A_500, %not3A_502 : i1
        %convert_element_type3A_504 = arith.extui %and3A_503 : i1 to i32
        %cond3A_505 = arith.constant 0 : i32
        %cond3A_506 = arith.cmpi ne, %convert_element_type3A_504, %cond3A_505 : i32
        scf.if %cond3A_506 {
          "tpu.trace_start"() <{level = 10 : i32, message = "ep_wait_out"}> : () -> ()
          %rem3A_549 = arith.constant 2 : i32
          %rem3A_550 = arith.remui %scan3A_234, %rem3A_549 : i32
          %mul3A_551 = arith.constant 1 : i32
          %mul3A_552 = arith.muli %mul3A_551, %add3A_259 : i32
          %mul3A_553 = arith.constant 100 : i32
          %mul3A_554 = arith.muli %mul3A_553, %add3A_261 : i32
          %dma_wait3A_555 = arith.constant 0 : i32
          %dma_wait3A_556 = arith.constant 0 : i32
          %dma_wait3A_557 = arith.constant 0 : i32
          %dma_wait3A_558 = tpu.memref_slice %run_scoped3A_12[%rem3A_550, %dma_wait3A_555, %dma_wait3A_556, %dma_wait3A_557] : memref<2x1x100x64xf32, #tpu.memory_space<vmem>> -> memref<1x1x100x64xf32, #tpu.memory_space<vmem>>
          %dma_wait3A_559 = tpu.memref_squeeze %dma_wait3A_558 : memref<1x1x100x64xf32, #tpu.memory_space<vmem>> -> memref<1x100x64xf32, #tpu.memory_space<vmem>>
          %dma_wait3A_560 = arith.constant 0 : i32
          %dma_wait3A_561 = tpu.memref_slice %arg5[%mul3A_552, %mul3A_554, %dma_wait3A_560] : memref<16384x200x64xf32, #tpu.memory_space<hbm>> -> memref<1x100x64xf32, #tpu.memory_space<hbm>>
          %dma_wait3A_562 = tpu.memref_slice %run_scoped3A_13[%rem3A_550] : memref<2x!tpu.dma_semaphore, #tpu.memory_space<semaphore_mem>> -> memref<1x!tpu.dma_semaphore, #tpu.memory_space<semaphore_mem>>
          %dma_wait3A_563 = tpu.memref_squeeze %dma_wait3A_562 : memref<1x!tpu.dma_semaphore, #tpu.memory_space<semaphore_mem>> -> memref<!tpu.dma_semaphore, #tpu.memory_space<semaphore_mem>>
          %dma_wait3A_564 = arith.constant 0 : i32
          %dma_wait3A_565 = tpu.memref_slice %arg5[%mul3A_552, %mul3A_554, %dma_wait3A_564] : memref<16384x200x64xf32, #tpu.memory_space<hbm>> -> memref<1x100x64xf32, #tpu.memory_space<hbm>>
          %dma_wait3A_566 = arith.constant 0 : i32
          %dma_wait3A_567 = arith.constant 0 : i32
          %dma_wait3A_568 = arith.constant 0 : i32
          %dma_wait3A_569 = tpu.memref_slice %run_scoped3A_12[%rem3A_550, %dma_wait3A_566, %dma_wait3A_567, %dma_wait3A_568] : memref<2x1x100x64xf32, #tpu.memory_space<vmem>> -> memref<1x1x100x64xf32, #tpu.memory_space<vmem>>
          %dma_wait3A_570 = tpu.memref_squeeze %dma_wait3A_569 : memref<1x1x100x64xf32, #tpu.memory_space<vmem>> -> memref<1x100x64xf32, #tpu.memory_space<vmem>>
          tpu.wait_dma2 semaphore(%dma_wait3A_563 : memref<!tpu.dma_semaphore, #tpu.memory_space<semaphore_mem>>) src(%dma_wait3A_570 : memref<1x100x64xf32, #tpu.memory_space<vmem>>) dst(%dma_wait3A_565 : memref<1x100x64xf32, #tpu.memory_space<hbm>>)
          "tpu.trace_stop"() : () -> ()
        } else {
        }
        %and3A_507 = arith.constant true
        %and3A_508 = arith.andi %and3A_503, %and3A_507 : i1
        %add3A_509 = arith.constant 1 : i32
        %add3A_510 = arith.addi %scan3A_234, %add3A_509 : i32
        %select_n3A_511 = arith.select %and3A_508, %add3A_510, %scan3A_234 : i32
        %ne3A_512 = arith.cmpi ne, %add3A_241, %add3A_277 : i32
        %ne3A_513 = arith.cmpi ne, %add3A_243, %add3A_279 : i32
        %or3A_514 = arith.constant false
        %or3A_515 = arith.ori %or3A_514, %ne3A_512 : i1
        %or3A_516 = arith.ori %or3A_515, %ne3A_513 : i1
        %or3A_517 = arith.constant false
        %or3A_518 = arith.ori %or3A_516, %or3A_517 : i1
        %or3A_519 = arith.ori %or3A_518, %eq3A_240 : i1
        %add3A_520 = arith.constant 1 : i32
        %add3A_521 = arith.addi %scan3A_230, %add3A_520 : i32
        %select_n3A_522 = arith.select %or3A_519, %add3A_521, %scan3A_230 : i32
        %ne3A_523 = arith.cmpi ne, %add3A_241, %add3A_277 : i32
        %ne3A_524 = arith.cmpi ne, %add3A_243, %add3A_279 : i32
        %or3A_525 = arith.constant false
        %or3A_526 = arith.ori %or3A_525, %ne3A_523 : i1
        %or3A_527 = arith.ori %or3A_526, %ne3A_524 : i1
        %or3A_528 = arith.constant false
        %or3A_529 = arith.ori %or3A_527, %or3A_528 : i1
        %or3A_530 = arith.ori %or3A_529, %eq3A_240 : i1
        %add3A_531 = arith.constant 1 : i32
        %add3A_532 = arith.addi %scan3A_232, %add3A_531 : i32
        %select_n3A_533 = arith.select %or3A_530, %add3A_532, %scan3A_232 : i32
        %add3A_534 = arith.constant 1 : i32
        %add3A_535 = arith.addi %scan3A_236, %add3A_534 : i32
        %select_n3A_536 = arith.constant true
        %select_n3A_537 = arith.select %select_n3A_536, %add3A_535, %scan3A_236 : i32
        %eq3A_538 = arith.constant 2 : i32
        %eq3A_539 = arith.cmpi eq, %select_n3A_537, %eq3A_538 : i32
        %select_n3A_540 = arith.constant 0 : i32
        %select_n3A_541 = arith.select %eq3A_539, %select_n3A_540, %select_n3A_537 : i32
        %add3A_542 = arith.constant 1 : i32
        %add3A_543 = arith.addi %scan3A_235, %add3A_542 : i32
        %select_n3A_544 = arith.select %eq3A_539, %add3A_543, %scan3A_235 : i32
        %eq3A_545 = arith.constant 512 : i32
        %eq3A_546 = arith.cmpi eq, %select_n3A_544, %eq3A_545 : i32
        %select_n3A_547 = arith.constant 0 : i32
        %select_n3A_548 = arith.select %eq3A_546, %select_n3A_547, %select_n3A_544 : i32
        scf.yield %select_n3A_312, %select_n3A_522, %select_n3A_332, %select_n3A_533, %select_n3A_463, %select_n3A_511, %select_n3A_548, %select_n3A_541 : i32, i32, i32, i32, i32, i32, i32, i32
      }
      %scan3A_135 = arith.constant 1024 : i32
      %sub3A = arith.constant 1 : i32
      %sub3A_136 = arith.subi %scan3A_134#7, %sub3A : i32
      %select_n3A_137 = arith.constant true
      %select_n3A_138 = arith.select %select_n3A_137, %sub3A_136, %scan3A_134#7 : i32
      %eq3A_139 = arith.constant -1 : i32
      %eq3A_140 = arith.cmpi eq, %select_n3A_138, %eq3A_139 : i32
      %select_n3A_141 = arith.constant 1 : i32
      %select_n3A_142 = arith.select %eq3A_140, %select_n3A_141, %select_n3A_138 : i32
      %sub3A_143 = arith.constant 1 : i32
      %sub3A_144 = arith.subi %scan3A_134#6, %sub3A_143 : i32
      %select_n3A_145 = arith.select %eq3A_140, %sub3A_144, %scan3A_134#6 : i32
      %eq3A_146 = arith.constant -1 : i32
      %eq3A_147 = arith.cmpi eq, %select_n3A_145, %eq3A_146 : i32
      %select_n3A_148 = arith.constant 511 : i32
      %select_n3A_149 = arith.select %eq3A_147, %select_n3A_148, %select_n3A_145 : i32
      %add3A_150 = arith.addi %select_n3A_149, %mul3A_8 : i32
      %add3A_151 = arith.constant 0 : i32
      %add3A_152 = arith.addi %select_n3A_142, %add3A_151 : i32
      %sub3A_153 = arith.constant 1 : i32
      %sub3A_154 = arith.subi %select_n3A_142, %sub3A_153 : i32
      %select_n3A_155 = arith.constant true
      %select_n3A_156 = arith.select %select_n3A_155, %sub3A_154, %select_n3A_142 : i32
      %eq3A_157 = arith.constant -1 : i32
      %eq3A_158 = arith.cmpi eq, %select_n3A_156, %eq3A_157 : i32
      %select_n3A_159 = arith.constant 1 : i32
      %select_n3A_160 = arith.select %eq3A_158, %select_n3A_159, %select_n3A_156 : i32
      %sub3A_161 = arith.constant 1 : i32
      %sub3A_162 = arith.subi %select_n3A_149, %sub3A_161 : i32
      %select_n3A_163 = arith.select %eq3A_158, %sub3A_162, %select_n3A_149 : i32
      %eq3A_164 = arith.constant -1 : i32
      %eq3A_165 = arith.cmpi eq, %select_n3A_163, %eq3A_164 : i32
      %select_n3A_166 = arith.constant 511 : i32
      %select_n3A_167 = arith.select %eq3A_165, %select_n3A_166, %select_n3A_163 : i32
      %add3A_168 = arith.addi %select_n3A_167, %mul3A_8 : i32
      %add3A_169 = arith.constant 0 : i32
      %add3A_170 = arith.addi %select_n3A_160, %add3A_169 : i32
      %add3A_171 = arith.constant 1 : i32
      %add3A_172 = arith.addi %select_n3A_142, %add3A_171 : i32
      %select_n3A_173 = arith.constant true
      %select_n3A_174 = arith.select %select_n3A_173, %add3A_172, %select_n3A_142 : i32
      %eq3A_175 = arith.constant 2 : i32
      %eq3A_176 = arith.cmpi eq, %select_n3A_174, %eq3A_175 : i32
      %select_n3A_177 = arith.constant 0 : i32
      %select_n3A_178 = arith.select %eq3A_176, %select_n3A_177, %select_n3A_174 : i32
      %add3A_179 = arith.constant 1 : i32
      %add3A_180 = arith.addi %select_n3A_149, %add3A_179 : i32
      %select_n3A_181 = arith.select %eq3A_176, %add3A_180, %select_n3A_149 : i32
      %eq3A_182 = arith.constant 512 : i32
      %eq3A_183 = arith.cmpi eq, %select_n3A_181, %eq3A_182 : i32
      %select_n3A_184 = arith.constant 0 : i32
      %select_n3A_185 = arith.select %eq3A_183, %select_n3A_184, %select_n3A_181 : i32
      %add3A_186 = arith.addi %select_n3A_185, %mul3A_8 : i32
      %add3A_187 = arith.constant 0 : i32
      %add3A_188 = arith.addi %select_n3A_178, %add3A_187 : i32
      %add3A_189 = arith.constant 1 : i32
      %add3A_190 = arith.addi %select_n3A_178, %add3A_189 : i32
      %select_n3A_191 = arith.constant true
      %select_n3A_192 = arith.select %select_n3A_191, %add3A_190, %select_n3A_178 : i32
      %eq3A_193 = arith.constant 2 : i32
      %eq3A_194 = arith.cmpi eq, %select_n3A_192, %eq3A_193 : i32
      %select_n3A_195 = arith.constant 0 : i32
      %select_n3A_196 = arith.select %eq3A_194, %select_n3A_195, %select_n3A_192 : i32
      %add3A_197 = arith.constant 1 : i32
      %add3A_198 = arith.addi %select_n3A_185, %add3A_197 : i32
      %select_n3A_199 = arith.select %eq3A_194, %add3A_198, %select_n3A_185 : i32
      %eq3A_200 = arith.constant 512 : i32
      %eq3A_201 = arith.cmpi eq, %select_n3A_199, %eq3A_200 : i32
      %select_n3A_202 = arith.constant 0 : i32
      %select_n3A_203 = arith.select %eq3A_201, %select_n3A_202, %select_n3A_199 : i32
      %add3A_204 = arith.addi %select_n3A_203, %mul3A_8 : i32
      %add3A_205 = arith.constant 0 : i32
      %add3A_206 = arith.addi %select_n3A_196, %add3A_205 : i32
      "tpu.trace_start"() <{level = 10 : i32, message = "ep_finalize"}> : () -> ()
      %rem3A_207 = arith.constant 2 : i32
      %rem3A_208 = arith.remui %scan3A_134#5, %rem3A_207 : i32
      %mul3A_209 = arith.constant 1 : i32
      %mul3A_210 = arith.muli %mul3A_209, %add3A_150 : i32
      %mul3A_211 = arith.constant 100 : i32
      %mul3A_212 = arith.muli %mul3A_211, %add3A_152 : i32
      %dma_wait3A = arith.constant 0 : i32
      %dma_wait3A_213 = arith.constant 0 : i32
      %dma_wait3A_214 = arith.constant 0 : i32
      %dma_wait3A_215 = tpu.memref_slice %run_scoped3A_12[%rem3A_208, %dma_wait3A, %dma_wait3A_213, %dma_wait3A_214] : memref<2x1x100x64xf32, #tpu.memory_space<vmem>> -> memref<1x1x100x64xf32, #tpu.memory_space<vmem>>
      %dma_wait3A_216 = tpu.memref_squeeze %dma_wait3A_215 : memref<1x1x100x64xf32, #tpu.memory_space<vmem>> -> memref<1x100x64xf32, #tpu.memory_space<vmem>>
      %dma_wait3A_217 = arith.constant 0 : i32
      %dma_wait3A_218 = tpu.memref_slice %arg5[%mul3A_210, %mul3A_212, %dma_wait3A_217] : memref<16384x200x64xf32, #tpu.memory_space<hbm>> -> memref<1x100x64xf32, #tpu.memory_space<hbm>>
      %dma_wait3A_219 = tpu.memref_slice %run_scoped3A_13[%rem3A_208] : memref<2x!tpu.dma_semaphore, #tpu.memory_space<semaphore_mem>> -> memref<1x!tpu.dma_semaphore, #tpu.memory_space<semaphore_mem>>
      %dma_wait3A_220 = tpu.memref_squeeze %dma_wait3A_219 : memref<1x!tpu.dma_semaphore, #tpu.memory_space<semaphore_mem>> -> memref<!tpu.dma_semaphore, #tpu.memory_space<semaphore_mem>>
      %dma_wait3A_221 = arith.constant 0 : i32
      %dma_wait3A_222 = tpu.memref_slice %arg5[%mul3A_210, %mul3A_212, %dma_wait3A_221] : memref<16384x200x64xf32, #tpu.memory_space<hbm>> -> memref<1x100x64xf32, #tpu.memory_space<hbm>>
      %dma_wait3A_223 = arith.constant 0 : i32
      %dma_wait3A_224 = arith.constant 0 : i32
      %dma_wait3A_225 = arith.constant 0 : i32
      %dma_wait3A_226 = tpu.memref_slice %run_scoped3A_12[%rem3A_208, %dma_wait3A_223, %dma_wait3A_224, %dma_wait3A_225] : memref<2x1x100x64xf32, #tpu.memory_space<vmem>> -> memref<1x1x100x64xf32, #tpu.memory_space<vmem>>
      %dma_wait3A_227 = tpu.memref_squeeze %dma_wait3A_226 : memref<1x1x100x64xf32, #tpu.memory_space<vmem>> -> memref<1x100x64xf32, #tpu.memory_space<vmem>>
      tpu.wait_dma2 semaphore(%dma_wait3A_220 : memref<!tpu.dma_semaphore, #tpu.memory_space<semaphore_mem>>) src(%dma_wait3A_227 : memref<1x100x64xf32, #tpu.memory_space<vmem>>) dst(%dma_wait3A_222 : memref<1x100x64xf32, #tpu.memory_space<hbm>>)
      "tpu.trace_stop"() : () -> ()
      tpu.yield
    }) : () -> ()
    return
  }
}

module attributes {stable_mosaic.version = 14 : i64} {
  func.func @body(%arg0: memref<7x64xf32, #tpu.memory_space<vmem>>, %arg1: memref<288x64xf32, #tpu.memory_space<vmem>>, %arg2: memref<7x288x64xf32, #tpu.memory_space<vmem>>) attributes {dimension_semantics = [], scalar_prefetch = 0 : i64, scratch_operands = 0 : i64, tpu.core_type = #tpu.core_type<tc>} {
    %get3A = arith.constant 0 : index
    %get3A_0 = arith.constant 0 : index
    %get3A_1 = vector.load %arg0[%get3A, %get3A_0] : memref<7x64xf32, #tpu.memory_space<vmem>>, vector<7x64xf32>
    %broadcast_in_dim3A = vector.shape_cast %get3A_1 : vector<7x64xf32> to vector<7x1x64xf32>
    %get3A_2 = arith.constant 0 : index
    %get3A_3 = arith.constant 0 : index
    %get3A_4 = vector.load %arg1[%get3A_2, %get3A_3] : memref<288x64xf32, #tpu.memory_space<vmem>>, vector<288x64xf32>
    %broadcast_in_dim3A_5 = vector.shape_cast %get3A_4 : vector<288x64xf32> to vector<1x288x64xf32>
    %add3A = vector.broadcast %broadcast_in_dim3A : vector<7x1x64xf32> to vector<7x288x64xf32>
    %add3A_6 = vector.broadcast %broadcast_in_dim3A_5 : vector<1x288x64xf32> to vector<7x288x64xf32>
    %add3A_7 = arith.addf %add3A, %add3A_6 : vector<7x288x64xf32>
    %swap3A = arith.constant 0 : index
    %swap3A_8 = arith.constant 0 : index
    %swap3A_9 = arith.constant 0 : index
    %swap3A_10 = vector.load %arg2[%swap3A, %swap3A_8, %swap3A_9] : memref<7x288x64xf32, #tpu.memory_space<vmem>>, vector<7x288x64xf32>
    tpu.vector_store %arg2[%swap3A, %swap3A_8, %swap3A_9], %add3A_7 {strides = array<i32>} : memref<7x288x64xf32, #tpu.memory_space<vmem>>, vector<7x288x64xf32>,
    return
  }
}

</mosaic_0001>

<sc_bundles>
// kernel: kernel.4.cloned.1.call-start
scs
__scs_entry_jumppad:
0x0: {  	(pc) =	sbr.rel $0x88, $3  }
0x1: {  	(tag) =	ssettag $0x0;
	lr =	simm.s32 $0x1  }
0x2: {  	[smem:$0x3F9D] =	sst lr;
	_ =	strace $0xD0000000  }
0x3: {  	_ = 	snop  }
0x4: {  	_ = 	snop  }
0x5: {  	_ = 	snop  }
0x6: {  	_ = 	snop  }
0x7: {  	_ = 	snop  }
__scs_overlays_trampoline_lowered:
0x8: {  	[smem:$0x3FAC] =	sst s0  }
0x9: {  	[smem:$0x3FAD] =	sst s1  }
0xa: {  	[smem:$0x3FAE] =	sst s2  }
0xb: {  	[smem:$0x3FAF] =	sst s3  }
0xc: {  	[smem:$0x3FB0] =	sst s4  }
0xd: {  	[smem:$0x3FB1] =	sst s5  }
0xe: {  	[smem:$0x3FB2] =	sst s6  }
0xf: {  	[smem:$0x3FB3] =	sst s7  }
0x10: {  	[smem:$0x3FB4] =	sst s8  }
0x11: {  	[smem:$0x3FB5] =	sst s9;
	s0 =	simm.s32 @!p0 $0x0  }
0x12: {  	s1 =	sld [smem:$0x3F9B];
	s0 =	simm.s32 @p0 $0x1  }
0x13: {  	[smem:$0x3FB6] =	sst s0;
	s0 =	simm.s32 @!p1 $0x0  }
0x14: {  	s2 =	sld [smem:$0x3F9A];
	s0 =	simm.s32 @p1 $0x1  }
0x15: {  	[smem:$0x3FB7] =	sst s0;
	s0 =	simm.s32 @!p2 $0x0  }
0x16: {  	s3 =	sld [smem:$0x3FDB];
	s0 =	simm.s32 @p2 $0x1  }
0x17: {  	s4 =	simm.s32 $0x1BF5;
	[smem:$0x3FB9] =	sst s0  }
0x18: {  	s0 =	sld [smem:$0x3F9C];
	_ =	swait.ge [sflag:s4], $0x0  }
0x19: {  	s7 =	sld [smem:$0x3F9D]  }
0x1a: {  	s8 =	sadd.s32 $0xFFFFE003, lr  }
0x1b: {  	s9 =	sadd.s32 $0xFFFFFEF7, lr;
	s5 =	simm.s32 $0xFFFFFFFF;
	p2 =	slt.u32 s8, $0xFFFFF086  }
0x1c: {  	p1 =	slt.u32 s9, $0xF7A;
	s5 =	simm.s32 @!p2 $0x0  }
0x1d: {  	s5 =	simm.s32 @p1 $0x1;
	p0 =	seq.s32 s7, s2  }
0x1e: {  	s7 =	smul.u32 @!p0 $0xF7A, s2;
	p2 =	seq.s32 @!p0 s5, $0x0  }
0x1f: {  	s9 =	smul.u32 $0xF7A, s1;
	s8 =	simm.s32 @!p0 $0x1BF5;
	p2 =	por !p2, p0  }
0x20: {  	[sflag:s8] =	ssyncset.s32 @!p0 $0xFFFFF086;
	s6 =	sadd.s32 @!p0 s3, s7;
	s7 =	simm.s32 @!p0 $0x108  }
0x21: {  	s3 =	sadd.s32 s3, s9;
	s6 =	sadd.s32 @!p0 $0x88, s6;
	s7 =	simm.s32 @p2 $0x1082  }
0x22: {  	[simem:s7], [sflag:s8] =	dma.local @!p0 [hbm:s6], $0xF7A  }
0x23: {  	s9 =	sor.u32 $0xD0000000, s2;
	s6 =	simm.s32 $0x108;
	_ =	swait.ge @!p0 [sflag:s8], $0x0  }
0x24: {  	s3 =	sadd.s32 $0x88, s3;
	s6 =	simm.s32 @!p1 $0x1082;
	[sflag:s4] =	ssyncset.s32 $0xFFFFF086  }
0x25: {  	[simem:s6], [sflag:s4] =	dma.local [hbm:s3], $0xF7A  }
0x26: {  	[smem:$0x3F9D] =	sst s1;
	(tag) =	ssettag s2;
	_ =	strace s9  }
0x27: {  	s1 =	sld [smem:$0x3FAD]  }
0x28: {  	s2 =	sld [smem:$0x3FAE]  }
0x29: {  	s4 =	sld [smem:$0x3FB0]  }
0x2a: {  	p0 =	seq.s32 s5, $0x0;
	s5 =	sld [smem:$0x3FB1]  }
0x2b: {  	s6 =	sld [smem:$0x3FB2]  }
0x2c: {  	s7 =	sld [smem:$0x3FB3]  }
0x2d: {  	s3 =	simm.s32 $0x108;
	s8 =	sld [smem:$0x3FB4]  }
0x2e: {  	s3 =	simm.s32 @!p0 $0x1082;
	s9 =	sld [smem:$0x3FB5]  }
0x2f: {  	lr =	sadd.s32 s0, s3;
	s0 =	sld [smem:$0x3FAC]  }
0x30: {  	s3 =	sld [smem:$0x3FAF]  }
0x31: {  	[smem:$0x3FB8] =	sst s10  }
0x32: {  	s10 =	sld [smem:$0x3FB6];
	_ =	sdelay $0x3  }
0x33: {  	p0 =	seq.s32 s10, $0x1;
	s10 =	sld [smem:$0x3FB8];
	_ =	sdelay $0x3  }
0x34: {  	[smem:$0x3FB8] =	sst s10  }
0x35: {  	s10 =	sld [smem:$0x3FB7];
	_ =	sdelay $0x3  }
0x36: {  	p1 =	seq.s32 s10, $0x1;
	s10 =	sld [smem:$0x3FB8];
	_ =	sdelay $0x3  }
0x37: {  	[smem:$0x3FB8] =	sst s10  }
0x38: {  	s10 =	sld [smem:$0x3FB9]  }
0x39: {  	_ = 	snop;
	(pc) =	sbr.ind lr, $3  }
0x3a: {  	_ = 	snop  }
0x3b: {  	_ = 	snop  }
0x3c: {  	p2 =	seq.s32 s10, $0x1;
	s10 =	sld [smem:$0x3FB8]  }
0x3d: {  	_ =	shalt  }
0x3e: {  	_ =	shalt  }
0x3f: {  	_ =	shalt  }
0x40: {  	_ =	shalt  }
0x41: {  	_ =	shalt  }
0x42: {  	_ =	shalt  }
0x43: {  	_ =	shalt  }
0x44: {  	_ =	shalt  }
0x45: {  	_ =	shalt  }
0x46: {  	_ =	shalt  }
0x47: {  	_ =	shalt  }
0x48: {  	_ =	shalt  }
0x49: {  	_ =	shalt  }
0x4a: {  	_ =	shalt  }
0x4b: {  	_ =	shalt  }
0x4c: {  	_ =	shalt  }
0x4d: {  	_ =	shalt  }
0x4e: {  	_ =	shalt  }
0x4f: {  	_ =	shalt  }
0x50: {  	_ =	shalt  }
0x51: {  	_ =	shalt  }
0x52: {  	_ =	shalt  }
0x53: {  	_ =	shalt  }
0x54: {  	_ =	shalt  }
0x55: {  	_ =	shalt  }
0x56: {  	_ =	shalt  }
0x57: {  	_ =	shalt  }
0x58: {  	_ =	shalt  }
0x59: {  	_ =	shalt  }
0x5a: {  	_ =	shalt  }
0x5b: {  	_ =	shalt  }
0x5c: {  	_ =	shalt  }
0x5d: {  	_ =	shalt  }
0x5e: {  	_ =	shalt  }
0x5f: {  	_ =	shalt  }
0x60: {  	_ =	shalt  }
0x61: {  	_ =	shalt  }
0x62: {  	_ =	shalt  }
0x63: {  	_ =	shalt  }
0x64: {  	_ =	shalt  }
0x65: {  	_ =	shalt  }
0x66: {  	_ =	shalt  }
0x67: {  	_ =	shalt  }
0x68: {  	_ =	shalt  }
0x69: {  	_ =	shalt  }
0x6a: {  	_ =	shalt  }
0x6b: {  	_ =	shalt  }
0x6c: {  	_ =	shalt  }
0x6d: {  	_ =	shalt  }
0x6e: {  	_ =	shalt  }
0x6f: {  	_ =	shalt  }
0x70: {  	_ =	shalt  }
0x71: {  	_ =	shalt  }
0x72: {  	_ =	shalt  }
0x73: {  	_ =	shalt  }
0x74: {  	_ =	shalt  }
0x75: {  	_ =	shalt  }
0x76: {  	_ =	shalt  }
0x77: {  	_ =	shalt  }
0x78: {  	_ =	shalt  }
0x79: {  	_ =	shalt  }
0x7a: {  	_ =	shalt  }
0x7b: {  	_ =	shalt  }
0x7c: {  	_ =	shalt  }
0x7d: {  	_ =	shalt  }
0x7e: {  	_ =	shalt  }
0x7f: {  	_ =	shalt  }
0x80: {  	_ =	shalt  }
0x81: {  	_ =	shalt  }
0x82: {  	_ =	shalt  }
0x83: {  	_ =	shalt  }
0x84: {  	_ =	shalt  }
0x85: {  	_ =	shalt  }
0x86: {  	_ =	shalt  }
0x87: {  	_ =	shalt  }
.Lfunc_end0:
.L_simem_size_0:
called_computation.1_lowered:
.L_overlay_start_0:
0x88: {  	s2 =	sld [smem:$0x3FD9]  }
0x89: {  	s3 =	sld [smem:$0x3FFE];
	_ =	sdelay $0x1  }
0x8a: {  	s1 =	srdreg.scid  }
0x8b: {  	s0 =	sand.u32 $0x1, s1  }
0x8c: {  	s17 =	sshll.u32 s0, $0xA;
	s2 =	sadd.s32 s3, s2  }
0x8d: {  	s2 =	sadd.s32 s2, s17  }
0x8e: {  	[smem:$0x3FC4] =	sst s2  }
0x8f: {  	_ = 	snop  }
0x90: {  	s2 =	sld [smem:$0x3FD0];
	(tm) =	ssettm $0x1  }
0x91: {  	s18 =	sld [smem:$0x3FFB];
	_ =	sdelay $0x3  }
0x92: {  	_ =	strace s18  }
0x93: {  	s3 =	sld [smem:$0x3FFC];
	_ =	sdelay $0x3  }
0x94: {  	_ =	strace s3  }
0x95: {  	s3 =	sld [smem:$0x3FFD];
	_ =	sdelay $0x3  }
0x96: {  	_ =	strace s3  }
0x97: {  	_ =	strace $0x8FFFFFFF  }
0x98: {  	s19 =	sld [smem:$0x3FDB];
	_ =	sdelay $0x1  }
0x99: {  	s4 =	simm.s32 $_scs_section_size  }
0x9a: {  	s5 =	simm.s32 $_size__tile_overlayer_lowered;
	s6 =	simm.s32 $_tile_overlayer_lowered  }
0x9b: {  	s22 =	simm.s32 $0x1BFF;
	s21 =	sshll.u32 s6, $0x1;
	s3 =	sadd.s32 s4, s19  }
0x9c: {  	s7 =	simm.s32 $0x0;
	s20 =	sshll.u32 s5, $0x1;
	s5 =	sadd.s32 s21, s3  }
0x9d: {  	[timem:s7], [sflag:s22] =	dma.local [hbm:s5], s20  }
0x9e: {  	_ =	swait.ge [sflag:s22], s20  }
0x9f: {  	s4 =	ssub.s32 $0x0, s20;
	[sflag:s22] =	ssyncset.done $0x0  }
0xa0: {  	[sflag:s22] =	ssyncadd.s32 s4;
	_ =	sdelay $0x1  }
0xa1: {  	s23 =	simm.s32 $0x1B8B  }
0xa2: {  	_ =	swait.ge [sflag:s23], $0x1  }
0xa3: {  	[sflag:s23] =	ssyncset.done $0x0  }
0xa4: {  	s25 =	simm.s32 $0x1B8E;
	s24 =	sld [smem:$0x3FFE];
	[sflag:s23] =	ssyncadd.s32 $0xFFFFFFFF  }
0xa5: {  	s26 =	simm.s32 $execute0_lowered;
	[smem:$0x3FD2] =	sst s25  }
0xa6: {  	s5 =	sshll.u32 s26, $0x1;
	_ =	strace $0x80000046;
	[dreg:$0x1] =	wrdreg $0xFFFFFFFF  }
0xa7: {  	s28 =	simm.s32 $_size_execute0_lowered;
	s3 =	sadd.s32 s3, s5;
	[dreg:$0x0] =	wrdreg $0x0  }
0xa8: {  	s5 =	sshll.u32 s28, $0x1;
	[dreg:$0x2] =	wrdreg s3  }
0xa9: {  	[dreg:$0x3] =	wrdreg s5  }
0xaa: {  	[dreg:$0x4] =	wrdreg $0xC0  }
0xab: {  	_ =	task [dreg:s7], $0x5FFFF  }
0xac: {  	[dreg:$0x1] =	wrdreg $0xFFFFFFFF  }
0xad: {  	[dreg:$0x0] =	wrdreg $0x60  }
0xae: {  	[dreg:$0x2] =	wrdreg s24  }
0xaf: {  	[dreg:$0x3] =	wrdreg s2  }
0xb0: {  	[dreg:$0x4] =	wrdreg $0x680  }
0xb1: {  	[dreg:$0x5] =	wrdreg $0x9  }
0xb2: {  	_ =	task.clear_ibuf [dreg:s7], $0x6FFFF;
	_ =	strace $0x90000046  }
0xb3: {  	s29 =	simm.s32 $0x9;
	_ =	strace $0x80000051  }
0xb4: {  	_ =	swait.ge [sflag:s29], $0x1  }
0xb5: {  	[sflag:s29] =	ssyncadd.s32 $0xFFFFFFFF  }
0xb6: {  	_ =	strace $0x90000051  }
0xb7: {  	_ =	sfence  }
0xb8: {  	s30 =	sld [smem:$0x0];
	_ =	sdelay $0x2  }
0xb9: {  	s31 =	sshll.u32 s1, $0xD;
	s1 =	sshrl.u32 s1, $0x2  }
0xba: {  	s3 =	sand.u32 $0x4000, s31;
	s1 =	sadd.s32 s1, s30  }
0xbb: {  	s0 =	sor.u32 s3, s0;
	s1 =	sshll.u32 s1, $0x11  }
0xbc: {  	s0 =	sor.u32 s1, s0  }
0xbd: {  	s0 =	sadd.s32 $0x8F2B, s0  }
0xbe: {  	[sflag:s0] =	ssyncadd.remote.s32 $0x1  }
0xbf: {  	_ =	sfence.sel $0xFFFF  }
0xc0: {  	[dreg:$0x0] =	wrdreg $0xFFFFFFFF;
	(pc) =	sbr.abs _section_cstart, $3  }
0xc1: {  	[dreg:$0x1] =	wrdreg $0xFFFFFFFF  }
0xc2: {  	_ =	task.clear_ibuf [dreg:s7], $0x2FFFF;
	_ =	strace $0x9FFFFFFF  }
0xc3: {  	(tm) =	ssettm $0x7FFFFFFF  }
tec
execute0_lowered:
.L_overlay_start_1:
0x0: {  	(tag) =	ssettag $0x1  }
0x1: {  	s0 =	rddreg [dreg:$0x0]  }
0x2: {  	s1 =	rddreg [dreg:$0x1]  }
0x3: {  	s14 =	rddreg [dreg:$0x2];
	s22 =	srdreg.scid  }
0x4: {  	s2 =	simm.s32 $0x0;
	s4 =	stileid.u32;
	[dreg:$0x5] =	wrdreg s1  }
0x5: {  	s31 =	simm.s32 $0x64;
	s1 =	sand.u32 $0x1, s22;
	[smem:$0x7FF] =	sst s2  }
0x6: {  	s5 =	sshll.u32 s4, $0x9;
	s24 =	sadd.s32 $0xA00, s0;
	s25 =	sadd.s32 $0x4A00, s0  }
0x7: {  	s26 =	sadd.s32 $0x6CA00, s0;
	_ =	strace $0x80000047;
	[dreg:$0xa] =	wrdreg s24  }
0x8: {  	s3 =	sshll.u32 s1, $0xD;
	s1 =	ssub.s32 $0x2, s1;
	[dreg:$0x7] =	wrdreg s25  }
0x9: {  	[dreg:$0x8] =	wrdreg s26;
	s23 =	sor.u32 s5, s3;
	s7 =	sshrl.u32 s1, $0x1  }
0xa: {  	[dreg:$0x4] =	wrdreg s31;
	s8 =	smul.u32 $0x1A, s23;
	s28 =	ssub.s32 s1, s7  }
0xb: {  	[dreg:$0x6] =	wrdreg s23;
	s0 =	smax.u32 s28, $0x1  }
0xc: {  	p0 =	sne.s32 s4, $0x0;
	s29 =	sadd.s32 s25, s8;
	[dreg:$0xd] =	wrdreg s0  }
0xd: {  	s30 =	sadd.s32 s26, s8;
	s0 =	simm.s32 @!p0 $0x0;
	[dreg:$0xb] =	wrdreg s29  }
0xe: {  	[dreg:$0xc] =	wrdreg s30;
	s0 =	simm.s32 @p0 $0x1  }
0xf: {  	[smem:$0x7FD] =	sst s0;
	s0 =	sshrl.u32 @!p0 s14, $0x3  }
0x10: {  	s1 =	simm.s32 $0x0;
	[dreg:$0xe] =	wrdreg s0  }
.LBB2_1:
0x11: {  	s0 =	sld [smem:$0x7FD];
	_ =	sdelay $0x1  }
0x12: {  	[dreg:$0xf] =	wrdreg s1  }
0x13: {  	s1 =	rddreg [dreg:$0xa];
	p0 =	seq.s32 s0, $0x1  }
0x14: {  	s2 =	rddreg [dreg:$0xe];
	s0 =	simm.s32 @!p0 $0x1C01  }
0x15: {  	[spmem:s2], [sflag:s0] =	dma.local @!p0 [hbm:s1], $0x3F00  }
0x16: {  	s0 =	simm.s32 @!p0 $0x1  }
0x17: {  	_ =	swait.ge @!p0 [sflag:s0], $0x3F00  }
0x18: {  	[sflag:s0] =	ssyncset.done @!p0 $0x0  }
0x19: {  	[sflag:s0] =	ssyncadd.s32 @!p0 $0xFFFFC100  }
0x1a: {  	[bflag:$0x0] =	sbarrier.arrive $0xFFFF  }
0x1b: {  	s17 =	simm.s32 $0x1FE8;
	s2 =	simm.s32 $0x0;
	_ =	strace $0x80000048  }
0x1c: {  	p0 =	por $0x0, $0x0;
	s0 =	simm.s32 $0x1;
	s16 =	rddreg [dreg:$0xb]  }
0x1d: {  	[tilespmem:s17], [sflag:$0x1] =	stream.linear.gather [hbm4b:s16+s2], $0x68, $0x200038;
	[tilespmem:$0x5388] =	vst v63  }
0x1e: {  	s19 =	simm.s32 $0x20B8;
	s0 =	simm.s32 @!p0 $0x0;
	s18 =	rddreg [dreg:$0xc]  }
0x1f: {  	[tilespmem:s19], [sflag:$0x3] =	stream.linear.gather [hbm4b:s18+s2], $0x68, $0x200038;
	[tilespmem:$0x5388] =	vst v63  }
0x20: {  	s18 =	sadd.s32 $0x0, s0  }
0x21: {  	s17 =	simm.s32 $0x1;
	p1 =	seq.s32 s18, $0x200  }
0x22: {  	s17 =	simm.s32 @p0 $0x0;
	s18 =	simm.s32 @p1 $0x0  }
0x23: {  	p3 =	sne.s32 s17, $0x0;
	p2 =	sne.s32 s18, $0x0  }
0x24: {  	p0 =	por $0x0, $0x0;
	p2 =	por p3, p2  }
0x25: {  	s3 =	rddreg [dreg:$0x6];
	p1 =	por !p2, p0  }
0x26: {  	s6 =	simm.s32 $0x1;
	s0 =	sadd.s32 @!p1 s3, s18;
	s1 =	smul.u32 @!p1 $0x68, s17  }
0x27: {  	s4 =	sand.u32 @!p1 $0x1, s6;
	s0 =	smul.u32 @!p1 $0xD0, s0  }
0x28: {  	_ =	strace $0x90000048;
	s7 =	smul.u32 @!p1 $0x1A0, s4  }
0x29: {  	s5 =	rddreg [dreg:$0x7];
	s10 =	simm.s32 @!p1 $0x0;
	s0 =	sadd.s32 @!p1 s1, s0  }
0x2a: {  	_ =	strace @!p1 $0x80000049;
	s1 =	sshrl.u32 @!p1 s7, $0x2;
	s0 =	sshrl.u32 @!p1 s0, $0x3  }
0x2b: {  	s9 =	sadd.s32 @!p1 $0x1, s4;
	s8 =	sadd.s32 @!p1 $0x1FE8, s1;
	s7 =	sadd.s32 @!p1 s5, s0  }
0x2c: {  	[tilespmem:s8], [sflag:s9] =	stream.linear.gather @!p1 [hbm4b:s7+s10], $0x68, $0x200038;
	[tilespmem:$0x5388] =	vst v63  }
0x2d: {  	_ =	strace @!p1 $0x90000049  }
0x2e: {  	s4 =	sadd.s32 @!p1 $0x3, s4;
	s5 =	rddreg [dreg:$0x8]  }
0x2f: {  	s1 =	sadd.s32 @!p1 $0x20B8, s1;
	_ =	strace @!p1 $0x8000004A;
	s0 =	sadd.s32 @!p1 s5, s0  }
0x30: {  	[tilespmem:s1], [sflag:s4] =	stream.linear.gather @!p1 [hbm4b:s0+s10], $0x68, $0x200038;
	[tilespmem:$0x5388] =	vst v63  }
0x31: {  	s4 =	sand.u32 $0x1, s2;
	_ =	strace @!p1 $0x9000004A  }
0x32: {  	s20 =	sadd.s32 $0x1, s4;
	_ =	strace $0x8000004B  }
0x33: {  	_ =	swait.ge [sflag:s20], $0x68  }
0x34: {  	[sflag:s20] =	ssyncset.done $0x0  }
0x35: {  	[sflag:s20] =	ssyncadd.s32 $0xFFFFFF98  }
0x36: {  	_ =	strace $0x9000004B  }
0x37: {  	s21 =	sadd.s32 $0x3, s4;
	_ =	strace $0x8000004C  }
0x38: {  	_ =	swait.ge [sflag:s21], $0x68  }
0x39: {  	[sflag:s21] =	ssyncset.done $0x0  }
0x3a: {  	s22 =	smul.u32 $0x1A0, s4;
	[sflag:s21] =	ssyncadd.s32 $0xFFFFFF98  }
0x3b: {  	_ =	strace $0x9000004C  }
0x3c: {  	s23 =	sshrl.u32 s22, $0x2;
	_ =	strace $0x8000004D  }
0x3d: {  	v0 =	vld [tilespmem:s23+$0x1FE8];
	_ =	sdelay $0x1  }
0x3e: {  	v1 =	vld [tilespmem:s23+$0x20B8];
	_ =	sdelay $0x2  }
0x3f: {  	v0 =	vmul.u32 $0x120, v0;
	_ =	sdelay $0x1  }
0x40: {  	v0 =	vadd.s32 v1, v0  }
0x41: {  	[tilespmem:$0x0] =	vst v0  }
0x42: {  	v0 =	vld [tilespmem:s23+$0x1FF8];
	_ =	sdelay $0x1  }
0x43: {  	v1 =	vld [tilespmem:s23+$0x20C8];
	_ =	sdelay $0x2  }
0x44: {  	v0 =	vmul.u32 $0x120, v0;
	_ =	sdelay $0x1  }
0x45: {  	v0 =	vadd.s32 v1, v0  }
0x46: {  	[tilespmem:$0x10] =	vst v0  }
0x47: {  	v0 =	vld [tilespmem:s23+$0x2008];
	_ =	sdelay $0x1  }
0x48: {  	v1 =	vld [tilespmem:s23+$0x20D8];
	_ =	sdelay $0x2  }
0x49: {  	v0 =	vmul.u32 $0x120, v0;
	_ =	sdelay $0x1  }
0x4a: {  	v0 =	vadd.s32 v1, v0  }
0x4b: {  	[tilespmem:$0x20] =	vst v0  }
0x4c: {  	v0 =	vld [tilespmem:s23+$0x2018];
	_ =	sdelay $0x1  }
0x4d: {  	v1 =	vld [tilespmem:s23+$0x20E8];
	_ =	sdelay $0x2  }
0x4e: {  	v0 =	vmul.u32 $0x120, v0;
	_ =	sdelay $0x1  }
0x4f: {  	v0 =	vadd.s32 v1, v0  }
0x50: {  	[tilespmem:$0x30] =	vst v0  }
0x51: {  	v0 =	vld [tilespmem:s23+$0x2028];
	_ =	sdelay $0x1  }
0x52: {  	v1 =	vld [tilespmem:s23+$0x20F8];
	_ =	sdelay $0x2  }
0x53: {  	v0 =	vmul.u32 $0x120, v0;
	_ =	sdelay $0x1  }
0x54: {  	s25 =	simm.s32 $0x3FE;
	v0 =	vadd.s32 v1, v0  }
0x55: {  	p5 =	por $0x0, $0x0;
	s11 =	simm.s32 $0x1;
	s30 =	simm.s32 $0x0;
	[tilespmem:$0x40] =	vst v0  }
0x56: {  	s16 =	simm.s32 $0x3FF;
	s19 =	simm.s32 $0x0;
	s28 =	simm.s32 @!p1 $0x2;
	v0 =	vld [tilespmem:s23+$0x2038]  }
0x57: {  	p3 =	por $0x1, $0x1;
	p2 =	por p0, p2;
	s28 =	smov.u32 @p1 s6  }
0x58: {  	s28 =	smov.u32 @p0 s6;
	s7 =	simm.s32 $0x1;
	s0 =	simm.s32 @!p1 $0x1;
	v1 =	vld [tilespmem:s23+$0x2108]  }
0x59: {  	s1 =	sadd.s32 $0x0, s3;
	s0 =	simm.s32 @p1 $0x0;
	s22 =	sadd.s32 $0x1, s17  }
0x5a: {  	s29 =	smul.u32 @p2 $0x3200, s1;
	s0 =	simm.s32 @p0 $0x0;
	p0 =	seq.s32 s22, $0x2  }
0x5b: {  	p2 =	por p2, p2;
	p1 =	por p3, p3;
	s7 =	simm.s32 @!p0 $0x0;
	v0 =	vmul.u32 $0x120, v0  }
0x5c: {  	s1 =	smul.u32 $0x6400, s4;
	s11 =	simm.s32 @!p2 $0x0;
	s26 =	sadd.s32 s7, s18  }
0x5d: {  	s24 =	sadd.s32 $0x1, s0;
	s0 =	sand.u32 @!p3 $0x1, s2;
	p4 =	seq.s32 s26, $0x200;
	v0 =	vadd.s32 v1, v0  }
0x5e: {  	p3 =	por $0x0, $0x0;
	s22 =	simm.s32 @p0 $0x0;
	s26 =	simm.s32 @p4 $0x0;
	[tilespmem:$0x50] =	vst v0  }
0x5f: {  	p0 =	por $0x0, $0x0;
	p6 =	sne.s32 s17, s22;
	p4 =	sne.s32 s18, s26;
	v1 =	vld [tilespmem:s23+$0x203C]  }
0x60: {  	s7 =	sadd.s32 @!p1 $0x5, s0;
	s0 =	simm.s32 $0x1;
	p4 =	por p6, p4  }
0x61: {  	s20 =	simm.s32 $0x0;
	s0 =	simm.s32 @!p3 $0x0;
	p6 =	por !p4, p0  }
0x62: {  	s21 =	simm.s32 $0x0;
	p4 =	por p0, p4;
	s15 =	sadd.s32 @!p6 s3, s26  }
0x63: {  	s10 =	smul.u32 @!p6 $0x68, s22;
	s31 =	sand.u32 @!p6 $0x1, s24;
	s8 =	sand.u32 @!p6 $0x1, s28  }
0x64: {  	s12 =	rddreg [dreg:$0x4];
	s13 =	smul.u32 @!p6 $0x1A0, s31;
	v0 =	vld [tilespmem:s23+$0x210C];
	s23 =	simm.s32 $0x0;
	v1 =	vmul.u32 $0x120, v1  }
.LBB2_2:
0x65: {  	_ = 	snop  }
0x66: {  	s2 =	smov.u32 s28  }
0x67: {  	s9 =	sadd.s32 @!p6 $0x3, s31;
	s28 =	smul.u32 @p2 $0x1900, s30;
	s3 =	smov.u32 s16  }
0x68: {  	s16 =	smov.u32 s25;
	s31 =	rddreg [dreg:$0x6];
	s15 =	smul.u32 @!p6 $0xD0, s15  }
0x69: {  	s5 =	simm.s32 @p2 $0x0;
	s6 =	simm.s32 $0x0;
	s1 =	sshrl.u32 s1, $0x2;
	v0 =	vadd.s32 v0, v1  }
0x6a: {  	s4 =	sadd.s32 @p2 $0x5, s4;
	s25 =	sadd.s32 $0xFFFFFFFF, s25;
	s1 =	sadd.s32 $0x2188, s1;
	[tilespmem:$0x54] =	vst v0  }
0x6b: {  	[tilespmem:s1], [sflag:$0x7] =	stream.indirect.gather [spmem:s14], $0x40, s6, s12, $0x2000b8;
	[tilespmem:$0x5388] =	vst v63  }
0x6c: {  	[dreg:$0x9] =	wrdreg s3;
	s29 =	sadd.s32 @p2 s28, s29;
	s6 =	simm.s32 $0x7  }
0x6d: {  	s28 =	sadd.s32 @!p6 $0x1, s2;
	s10 =	sadd.s32 @!p6 s10, s15;
	_ =	swait.ge [sflag:s6], $0x1900  }
0x6e: {  	s15 =	simm.s32 @!p6 $0x1;
	s28 =	smov.u32 @p6 s2;
	[sflag:s6] =	ssyncset.done $0x0  }
0x6f: {  	s10 =	sshrl.u32 @!p6 s10, $0x3;
	s15 =	simm.s32 @p6 $0x0;
	[sflag:s6] =	ssyncadd.s32 $0xFFFFE700  }
0x70: {  	s15 =	simm.s32 @p0 $0x0;
	s12 =	sshrl.u32 @!p6 s13, $0x2;
	_ =	strace $0x9000004D  }
0x71: {  	s13 =	sshrl.u32 @p2 s29, $0x3;
	s3 =	rddreg [dreg:$0x7];
	_ =	strace @p2 $0x8000004E  }
0x72: {  	s6 =	sadd.s32 @!p6 s3, s10;
	s3 =	smov.u32 s14;
	s14 =	rddreg [dreg:$0x5]  }
0x73: {  	s28 =	smov.u32 @p0 s2;
	p0 =	sne.s32 s25, $0x0;
	s2 =	sadd.s32 @p2 s14, s13  }
0x74: {  	[hbm4b:s2+s5] =	stream.linear.scatter @p2 [tilespmem:s1], [sflag:s4], $0x1900, $0x200038;
	[tilespmem:$0x5388] =	vst v63  }
0x75: {  	s1 =	simm.s32 @!p0 $0x0  }
0x76: {  	s29 =	rddreg [dreg:$0x8];
	s1 =	simm.s32 @p0 $0x1  }
0x77: {  	_ =	strace @p2 $0x9000004E;
	[smem:$0x7FC] =	sst s1  }
0x78: {  	s30 =	smov.u32 s17;
	_ =	strace @!p1 $0x8000004F  }
0x79: {  	s17 =	sadd.s32 s31, s18;
	s18 =	smul.u32 @!p6 $0x1A0, s8;
	_ =	swait.ge @!p1 [sflag:s7], $0x1900  }
0x7a: {  	[sflag:s7] =	ssyncset.done @!p1 $0x0  }
0x7b: {  	s18 =	sshrl.u32 @!p6 s18, $0x2;
	[sflag:s7] =	ssyncadd.s32 @!p1 $0xFFFFE700  }
0x7c: {  	s24 =	sadd.s32 s24, s15;
	s15 =	sadd.s32 @!p6 $0x1FE8, s18;
	_ =	strace @!p1 $0x9000004F  }
0x7d: {  	s2 =	simm.s32 @!p6 $0x0;
	s1 =	sadd.s32 @!p6 $0x1, s8;
	_ =	strace @!p6 $0x80000049  }
0x7e: {  	[tilespmem:s15], [sflag:s1] =	stream.linear.gather @!p6 [hbm4b:s6+s2], $0x68, $0x200038;
	[tilespmem:$0x5388] =	vst v63  }
0x7f: {  	s23 =	sadd.s32 s11, s23;
	_ =	strace @!p6 $0x90000049  }
0x80: {  	s12 =	sadd.s32 @!p6 $0x20B8, s12;
	s10 =	sadd.s32 @!p6 s29, s10;
	_ =	strace @!p6 $0x8000004A  }
0x81: {  	[tilespmem:s12], [sflag:s9] =	stream.linear.gather @!p6 [hbm4b:s10+s2], $0x68, $0x200038;
	[tilespmem:$0x5388] =	vst v63  }
0x82: {  	s20 =	sadd.s32 s11, s20;
	s8 =	sand.u32 $0x1, s23;
	_ =	strace @!p6 $0x9000004A  }
0x83: {  	s21 =	sadd.s32 s11, s21;
	s11 =	sadd.s32 $0x1, s8;
	_ =	strace $0x8000004B  }
0x84: {  	_ =	swait.ge [sflag:s11], $0x68  }
0x85: {  	[sflag:s11] =	ssyncset.done $0x0  }
0x86: {  	[sflag:s11] =	ssyncadd.s32 $0xFFFFFF98  }
0x87: {  	s12 =	sand.u32 $0x1, s21;
	_ =	strace $0x9000004B  }
0x88: {  	s13 =	sadd.s32 $0x3, s12;
	_ =	strace $0x8000004C  }
0x89: {  	_ =	swait.ge [sflag:s13], $0x68  }
0x8a: {  	[sflag:s13] =	ssyncset.done $0x0  }
0x8b: {  	s1 =	smul.u32 $0x1A0, s8;
	[sflag:s13] =	ssyncadd.s32 $0xFFFFFF98  }
0x8c: {  	s14 =	smov.u32 s3;
	_ =	strace $0x9000004C  }
0x8d: {  	s3 =	sshrl.u32 s1, $0x2;
	s15 =	smul.u32 $0x1A0, s12;
	_ =	strace $0x8000004D  }
0x8e: {  	v0 =	vld [tilespmem:s3+$0x1FE8]  }
0x8f: {  	s6 =	sshrl.u32 s15, $0x2  }
0x90: {  	v1 =	vld [tilespmem:s6+$0x20B8];
	_ =	sdelay $0x2  }
0x91: {  	v0 =	vmul.u32 $0x120, v0;
	_ =	sdelay $0x1  }
0x92: {  	v0 =	vadd.s32 v1, v0  }
0x93: {  	[tilespmem:$0x0] =	vst v0  }
0x94: {  	v0 =	vld [tilespmem:s3+$0x1FF8];
	_ =	sdelay $0x1  }
0x95: {  	v1 =	vld [tilespmem:s6+$0x20C8];
	_ =	sdelay $0x2  }
0x96: {  	v0 =	vmul.u32 $0x120, v0;
	_ =	sdelay $0x1  }
0x97: {  	v0 =	vadd.s32 v1, v0  }
0x98: {  	[tilespmem:$0x10] =	vst v0  }
0x99: {  	v0 =	vld [tilespmem:s3+$0x2008];
	_ =	sdelay $0x1  }
0x9a: {  	v1 =	vld [tilespmem:s6+$0x20D8];
	_ =	sdelay $0x2  }
0x9b: {  	v0 =	vmul.u32 $0x120, v0;
	_ =	sdelay $0x1  }
0x9c: {  	v0 =	vadd.s32 v1, v0  }
0x9d: {  	[tilespmem:$0x20] =	vst v0  }
0x9e: {  	v0 =	vld [tilespmem:s3+$0x2018];
	_ =	sdelay $0x1  }
0x9f: {  	v1 =	vld [tilespmem:s6+$0x20E8];
	_ =	sdelay $0x2  }
0xa0: {  	v0 =	vmul.u32 $0x120, v0;
	_ =	sdelay $0x1  }
0xa1: {  	v0 =	vadd.s32 v1, v0  }
0xa2: {  	[tilespmem:$0x30] =	vst v0  }
0xa3: {  	v0 =	vld [tilespmem:s3+$0x2028];
	_ =	sdelay $0x1  }
0xa4: {  	v1 =	vld [tilespmem:s6+$0x20F8];
	_ =	sdelay $0x2  }
0xa5: {  	v0 =	vmul.u32 $0x120, v0;
	_ =	sdelay $0x1  }
0xa6: {  	v0 =	vadd.s32 v1, v0  }
0xa7: {  	[tilespmem:$0x40] =	vst v0  }
0xa8: {  	v0 =	vld [tilespmem:s3+$0x2038]  }
0xa9: {  	s19 =	sadd.s32 s0, s19  }
0xaa: {  	s29 =	smul.u32 @p4 $0x3200, s17;
	s17 =	smov.u32 s22;
	s22 =	sadd.s32 $0x1, s22;
	v1 =	vld [tilespmem:s6+$0x2108]  }
0xab: {  	s0 =	sand.u32 @!p5 $0x1, s19;
	s18 =	smov.u32 s26;
	p0 =	seq.s32 s22, $0x2  }
0xac: {  	s4 =	sand.u32 $0x1, s20;
	p2 =	por p4, p4;
	s22 =	simm.s32 @p0 $0x0  }
0xad: {  	p1 =	por p5, p5;
	p5 =	seq.s32 s16, $0x400;
	s1 =	simm.s32 $0x1;
	v0 =	vmul.u32 $0x120, v0  }
0xae: {  	s7 =	sadd.s32 @!p1 $0x5, s0;
	s1 =	simm.s32 @!p0 $0x0;
	s9 =	sld [smem:$0x7FC]  }
0xaf: {  	s0 =	simm.s32 $0x1;
	s26 =	sadd.s32 s1, s26;
	s8 =	rddreg [dreg:$0x9];
	v0 =	vadd.s32 v1, v0  }
0xb0: {  	s1 =	smul.u32 $0x6400, s4;
	p0 =	seq.s32 s26, $0x200;
	p3 =	sne.s32 s8, $0x400;
	[tilespmem:$0x50] =	vst v0  }
0xb1: {  	s26 =	simm.s32 @p0 $0x0;
	s0 =	simm.s32 @!p3 $0x0;
	p3 =	seq.s32 s9, $0x1;
	v1 =	vld [tilespmem:s3+$0x203C]  }
.Ltmp0:
0xb2: {  	p6 =	sne.s32 s17, s22;
	p0 =	sne.s32 s18, s26;
	(pc) =	sbr.rel @p3 .LBB2_2-.Ltmp0, $4  }
0xb3: {  	p4 =	por p6, p0;
	p0 =	seq.s32 s16, $0x1;
	s11 =	simm.s32 $0x1  }
0xb4: {  	p6 =	por !p4, p0;
	p4 =	por p0, p4;
	s11 =	simm.s32 @!p2 $0x0  }
0xb5: {  	s15 =	sadd.s32 @!p6 s31, s26;
	s10 =	smul.u32 @!p6 $0x68, s22;
	s31 =	sand.u32 @!p6 $0x1, s24  }
0xb6: {  	s13 =	smul.u32 @!p6 $0x1A0, s31;
	s12 =	rddreg [dreg:$0x4];
	s8 =	sand.u32 @!p6 $0x1, s28;
	v0 =	vld [tilespmem:s6+$0x210C];
	v1 =	vmul.u32 $0x120, v1  }
0xb7: {  	_ =	sdelay $0x3  }
0xb8: {  	s1 =	sshrl.u32 s1, $0x2;
	v0 =	vadd.s32 v0, v1  }
0xb9: {  	s3 =	simm.s32 $0x0;
	s9 =	simm.s32 $0x7;
	s1 =	sadd.s32 $0x2188, s1;
	[tilespmem:$0x54] =	vst v0  }
0xba: {  	[tilespmem:s1], [sflag:$0x7] =	stream.indirect.gather [spmem:s14], $0x40, s3, s12, $0x2000b8;
	[tilespmem:$0x5388] =	vst v63  }
0xbb: {  	_ =	swait.ge [sflag:s9], $0x1900  }
0xbc: {  	[sflag:s9] =	ssyncset.done $0x0  }
0xbd: {  	s2 =	smul.u32 @p2 $0x1900, s30;
	[sflag:s9] =	ssyncadd.s32 $0xFFFFE700  }
0xbe: {  	_ =	strace $0x9000004D  }
0xbf: {  	s2 =	sadd.s32 @p2 s2, s29;
	_ =	strace @p2 $0x8000004E  }
0xc0: {  	s2 =	sshrl.u32 @p2 s2, $0x3;
	s5 =	rddreg [dreg:$0x5]  }
0xc1: {  	s4 =	sadd.s32 @p2 $0x5, s4;
	s2 =	sadd.s32 @p2 s5, s2;
	s5 =	simm.s32 @p2 $0x0  }
0xc2: {  	[hbm4b:s2+s5] =	stream.linear.scatter @p2 [tilespmem:s1], [sflag:s4], $0x1900, $0x200038;
	[tilespmem:$0x5388] =	vst v63  }
0xc3: {  	_ =	strace @p2 $0x9000004E  }
0xc4: {  	s1 =	smul.u32 @!p6 $0xD0, s15;
	_ =	strace @!p1 $0x8000004F  }
0xc5: {  	s2 =	smul.u32 @!p6 $0x1A0, s8;
	_ =	swait.ge @!p1 [sflag:s7], $0x1900  }
0xc6: {  	s6 =	simm.s32 @!p6 $0x0;
	s5 =	sadd.s32 @!p6 $0x1, s8;
	[sflag:s7] =	ssyncset.done @!p1 $0x0  }
0xc7: {  	s1 =	sadd.s32 @!p6 s10, s1;
	s2 =	sshrl.u32 @!p6 s2, $0x2;
	[sflag:s7] =	ssyncadd.s32 @!p1 $0xFFFFE700  }
0xc8: {  	s1 =	sshrl.u32 @!p6 s1, $0x3;
	s4 =	rddreg [dreg:$0x7];
	_ =	strace @!p1 $0x9000004F  }
0xc9: {  	s2 =	sadd.s32 @!p6 $0x1FE8, s2;
	s4 =	sadd.s32 @!p6 s4, s1;
	_ =	strace @!p6 $0x80000049  }
0xca: {  	[tilespmem:s2], [sflag:s5] =	stream.linear.gather @!p6 [hbm4b:s4+s6], $0x68, $0x200038;
	[tilespmem:$0x5388] =	vst v63  }
0xcb: {  	s15 =	sadd.s32 s11, s23;
	_ =	strace @!p6 $0x90000049  }
0xcc: {  	s2 =	sadd.s32 @!p6 $0x3, s31;
	s4 =	sshrl.u32 @!p6 s13, $0x2;
	s5 =	rddreg [dreg:$0x8]  }
0xcd: {  	s4 =	sadd.s32 @!p6 $0x20B8, s4;
	_ =	strace @!p6 $0x8000004A;
	s1 =	sadd.s32 @!p6 s5, s1  }
0xce: {  	[tilespmem:s4], [sflag:s2] =	stream.linear.gather @!p6 [hbm4b:s1+s6], $0x68, $0x200038;
	[tilespmem:$0x5388] =	vst v63  }
0xcf: {  	s1 =	sand.u32 $0x1, s15;
	_ =	strace @!p6 $0x9000004A  }
0xd0: {  	s22 =	sadd.s32 $0x1, s1;
	_ =	strace $0x8000004B  }
0xd1: {  	_ =	swait.ge [sflag:s22], $0x68  }
0xd2: {  	[sflag:s22] =	ssyncset.done $0x0  }
0xd3: {  	s23 =	sadd.s32 s11, s21;
	[sflag:s22] =	ssyncadd.s32 $0xFFFFFF98  }
0xd4: {  	s24 =	sand.u32 $0x1, s23;
	_ =	strace $0x9000004B  }
0xd5: {  	s4 =	sadd.s32 $0x3, s24;
	_ =	strace $0x8000004C  }
0xd6: {  	_ =	swait.ge [sflag:s4], $0x68  }
0xd7: {  	[sflag:s4] =	ssyncset.done $0x0  }
0xd8: {  	s1 =	smul.u32 $0x1A0, s1;
	[sflag:s4] =	ssyncadd.s32 $0xFFFFFF98  }
0xd9: {  	_ =	strace $0x9000004C  }
0xda: {  	s2 =	smul.u32 $0x1A0, s24;
	s1 =	sshrl.u32 s1, $0x2;
	_ =	strace $0x8000004D  }
0xdb: {  	v56 =	vld [tilespmem:s1+$0x1FE8]  }
0xdc: {  	s2 =	sshrl.u32 s2, $0x2  }
0xdd: {  	v57 =	vld [tilespmem:s2+$0x20B8];
	_ =	sdelay $0x2  }
0xde: {  	v0 =	vmul.u32 $0x120, v56;
	_ =	sdelay $0x1  }
0xdf: {  	v0 =	vadd.s32 v57, v0  }
0xe0: {  	[tilespmem:$0x0] =	vst v0  }
0xe1: {  	v0 =	vld [tilespmem:s1+$0x1FF8];
	_ =	sdelay $0x1  }
0xe2: {  	v58 =	vld [tilespmem:s2+$0x20C8];
	_ =	sdelay $0x2  }
0xe3: {  	v0 =	vmul.u32 $0x120, v0;
	_ =	sdelay $0x1  }
0xe4: {  	v0 =	vadd.s32 v58, v0  }
0xe5: {  	[tilespmem:$0x10] =	vst v0  }
0xe6: {  	v0 =	vld [tilespmem:s1+$0x2008];
	_ =	sdelay $0x1  }
0xe7: {  	v59 =	vld [tilespmem:s2+$0x20D8];
	_ =	sdelay $0x2  }
0xe8: {  	v0 =	vmul.u32 $0x120, v0;
	_ =	sdelay $0x1  }
0xe9: {  	v0 =	vadd.s32 v59, v0  }
0xea: {  	[tilespmem:$0x20] =	vst v0  }
0xeb: {  	v0 =	vld [tilespmem:s1+$0x2018];
	_ =	sdelay $0x1  }
0xec: {  	v60 =	vld [tilespmem:s2+$0x20E8];
	_ =	sdelay $0x2  }
0xed: {  	v0 =	vmul.u32 $0x120, v0;
	_ =	sdelay $0x1  }
0xee: {  	v0 =	vadd.s32 v60, v0  }
0xef: {  	[tilespmem:$0x30] =	vst v0  }
0xf0: {  	v0 =	vld [tilespmem:s1+$0x2028];
	_ =	sdelay $0x1  }
0xf1: {  	v61 =	vld [tilespmem:s2+$0x20F8];
	_ =	sdelay $0x2  }
0xf2: {  	v0 =	vmul.u32 $0x120, v0;
	_ =	sdelay $0x1  }
0xf3: {  	v0 =	vadd.s32 v61, v0  }
0xf4: {  	[tilespmem:$0x40] =	vst v0  }
0xf5: {  	v0 =	vld [tilespmem:s1+$0x2038];
	_ =	sdelay $0x1  }
0xf6: {  	v62 =	vld [tilespmem:s2+$0x2108];
	_ =	sdelay $0x2  }
0xf7: {  	v0 =	vmul.u32 $0x120, v0;
	_ =	sdelay $0x1  }
0xf8: {  	v0 =	vadd.s32 v62, v0  }
0xf9: {  	[tilespmem:$0x50] =	vst v0  }
0xfa: {  	v0 =	vld [tilespmem:s1+$0x203C];
	_ =	sdelay $0x1  }
0xfb: {  	v63 =	vld [tilespmem:s2+$0x210C]  }
0xfc: {  	s25 =	sadd.s32 s11, s20  }
0xfd: {  	s1 =	sand.u32 $0x1, s25  }
0xfe: {  	s26 =	smul.u32 $0x6400, s1;
	v0 =	vmul.u32 $0x120, v0;
	_ =	sdelay $0x1  }
0xff: {  	s2 =	sshrl.u32 s26, $0x2;
	v0 =	vadd.s32 v63, v0  }
0x100: {  	s28 =	rddreg [dreg:$0x4];
	s2 =	sadd.s32 $0x2188, s2;
	[tilespmem:$0x54] =	vst v0  }
0x101: {  	[tilespmem:s2], [sflag:$0x7] =	stream.indirect.gather [spmem:s14], $0x40, s3, s28, $0x2000b8;
	[tilespmem:$0x5388] =	vst v63  }
0x102: {  	_ =	swait.ge [sflag:s9], $0x1900  }
0x103: {  	p0 =	por p4, p4;
	s29 =	rddreg [dreg:$0x6]  }
0x104: {  	s5 =	smul.u32 @p0 $0x1900, s17;
	[sflag:s9] =	ssyncset.done $0x0;
	s4 =	sadd.s32 s29, s18  }
0x105: {  	[sflag:s9] =	ssyncadd.s32 $0xFFFFE700;
	s4 =	smul.u32 @p4 $0x3200, s4  }
0x106: {  	_ =	strace $0x9000004D  }
0x107: {  	_ =	strace @p0 $0x8000004E;
	s4 =	sadd.s32 @p0 s5, s4  }
0x108: {  	s0 =	sadd.s32 s0, s19;
	s6 =	rddreg [dreg:$0x5];
	s4 =	sshrl.u32 @p0 s4, $0x3  }
0x109: {  	s1 =	sadd.s32 @p0 $0x5, s1;
	s5 =	simm.s32 @p0 $0x0;
	s4 =	sadd.s32 @p0 s6, s4  }
0x10a: {  	[hbm4b:s4+s5] =	stream.linear.scatter @p0 [tilespmem:s2], [sflag:s1], $0x1900, $0x200038;
	[tilespmem:$0x5388] =	vst v63  }
0x10b: {  	p1 =	por p5, p5;
	s1 =	sand.u32 @!p5 $0x1, s0;
	_ =	strace @p0 $0x9000004E  }
0x10c: {  	s1 =	sadd.s32 @!p1 $0x5, s1;
	_ =	strace @!p1 $0x8000004F  }
0x10d: {  	s2 =	simm.s32 $0x1;
	p0 =	sne.s32 s16, $0x400;
	_ =	swait.ge @!p1 [sflag:s1], $0x1900  }
0x10e: {  	s2 =	simm.s32 @!p0 $0x0;
	[sflag:s1] =	ssyncset.done @!p1 $0x0  }
0x10f: {  	s0 =	sadd.s32 s2, s0;
	[sflag:s1] =	ssyncadd.s32 @!p1 $0xFFFFE700  }
0x110: {  	s0 =	sand.u32 $0x1, s0;
	_ =	strace @!p1 $0x9000004F  }
0x111: {  	s0 =	sadd.s32 $0x5, s0;
	_ =	strace $0x80000050  }
0x112: {  	_ =	swait.ge [sflag:s0], $0x1900  }
0x113: {  	s30 =	rddreg [dreg:$0xf]  }
0x114: {  	s31 =	rddreg [dreg:$0xd];
	s1 =	sadd.s32 $0x1, s30  }
0x115: {  	p0 =	sne.s32 s1, s31  }
.Ltmp1:
0x116: {  	_ = 	snop;
	(pc) =	sbr.rel @p0 .LBB2_1-.Ltmp1, $4  }
0x117: {  	_ = 	snop  }
0x118: {  	[sflag:s0] =	ssyncset.done $0x0  }
0x119: {  	[sflag:s0] =	ssyncadd.s32 $0xFFFFE700  }
0x11a: {  	_ =	strace $0x90000050  }
0x11b: {  	_ =	sfence.sel $0x180000  }
0x11c: {  	[bflag:$0x0] =	sbarrier.arrive $0xFFFF  }
0x11d: {  	_ =	strace $0x90000047  }
0x11e: {  	[bflag:$0x2] =	sbarrier.arrive $0xFFFF  }
0x11f: {  	s1 =	sld [smem:$0x7FD];
	_ =	sdelay $0x2  }
0x120: {  	s0 =	rddreg [dreg:$0x3];
	p0 =	seq.s32 s1, $0x1  }
0x121: {  	s0 =	sadd.s32 @!p0 $0x100000, s0  }
0x122: {  	[sflag:s0] =	ssyncadd.tile.s32 @!p0 $0x1;
	_ =	shalt  }
.Lfunc_end2:
_tile_overlayer_lowered:
.L_overlay_start_2:
0x123: {  	(tag) =	ssettag $0x2  }
0x124: {  	s0 =	rddreg [dreg:$0x0];
	s2 =	stileid.u32  }
0x125: {  	s1 =	rddreg [dreg:$0x1];
	p0 =	sne.s32 s2, $0x0  }
0x126: {  	s3 =	rddreg [dreg:$0x2];
	[bflag:$0x3] =	sbarrier.arrive $0xFFFF;
	s2 =	simm.s32 @!p0 $0x1C01  }
0x127: {  	[timem:s3], [sflag:s2] =	dma.local @!p0 [hbm:s0], s1  }
0x128: {  	s0 =	simm.s32 @!p0 $0x1  }
0x129: {  	_ =	swait.ge @!p0 [sflag:s0], s1  }
0x12a: {  	s1 =	ssub.s32 @!p0 $0x0, s1;
	[sflag:s0] =	ssyncset.done @!p0 $0x0  }
0x12b: {  	[sflag:s0] =	ssyncadd.s32 @!p0 s1  }
0x12c: {  	[bflag:$0x3] =	sbarrier.arrive $0xFFFF  }
0x12d: {  	_ =	shalt  }

// kernel: sparse-core-data-format-call.cloned.1.call-start
scs
called_computation_lowered:
.L_overlay_start_0:
0x0: {  	s2 =	sld [smem:$0x3FD9]  }
0x1: {  	s3 =	sld [smem:$0x3FFE];
	_ =	sdelay $0x1  }
0x2: {  	s1 =	srdreg.scid  }
0x3: {  	s0 =	sand.u32 $0x1, s1  }
0x4: {  	s18 =	sshll.u32 s0, $0xA;
	s2 =	sadd.s32 s3, s2  }
0x5: {  	s2 =	sadd.s32 s2, s18  }
0x6: {  	[smem:$0x3FC4] =	sst s2  }
0x7: {  	_ = 	snop  }
0x8: {  	s2 =	sld [smem:$0x3FD0];
	(tm) =	ssettm $0x1  }
0x9: {  	s19 =	sld [smem:$0x3FFB];
	_ =	sdelay $0x3  }
0xa: {  	_ =	strace s19  }
0xb: {  	s3 =	sld [smem:$0x3FFC];
	_ =	sdelay $0x3  }
0xc: {  	_ =	strace s3  }
0xd: {  	s3 =	sld [smem:$0x3FFD];
	_ =	sdelay $0x3  }
0xe: {  	_ =	strace s3  }
0xf: {  	_ =	strace $0x8FFFFFFF  }
0x10: {  	s20 =	sld [smem:$0x3FDB];
	_ =	sdelay $0x1  }
0x11: {  	s4 =	simm.s32 $_scs_section_size  }
0x12: {  	s5 =	simm.s32 $_size__tile_overlayer_lowered;
	s6 =	simm.s32 $_tile_overlayer_lowered  }
0x13: {  	s23 =	simm.s32 $0x1BFF;
	s22 =	sshll.u32 s6, $0x1;
	s3 =	sadd.s32 s4, s20  }
0x14: {  	s7 =	simm.s32 $0x0;
	s21 =	sshll.u32 s5, $0x1;
	s5 =	sadd.s32 s22, s3  }
0x15: {  	[timem:s7], [sflag:s23] =	dma.local [hbm:s5], s21  }
0x16: {  	_ =	swait.ge [sflag:s23], s21  }
0x17: {  	s4 =	ssub.s32 $0x0, s21;
	[sflag:s23] =	ssyncset.done $0x0  }
0x18: {  	[sflag:s23] =	ssyncadd.s32 s4;
	_ =	sdelay $0x1  }
0x19: {  	s24 =	simm.s32 $0x1B8B  }
0x1a: {  	_ =	swait.ge [sflag:s24], $0x1  }
0x1b: {  	[sflag:s24] =	ssyncset.done $0x0  }
0x1c: {  	s26 =	simm.s32 $0x1B8E;
	s25 =	sld [smem:$0x3FFE];
	[sflag:s24] =	ssyncadd.s32 $0xFFFFFFFF  }
0x1d: {  	s27 =	simm.s32 $execute0_lowered;
	[smem:$0x3FD2] =	sst s26  }
0x1e: {  	s5 =	sshll.u32 s27, $0x1;
	_ =	strace $0x80000052;
	[dreg:$0x1] =	wrdreg $0xFFFFFFFF  }
0x1f: {  	s28 =	simm.s32 $_size_execute0_lowered;
	s3 =	sadd.s32 s3, s5;
	[dreg:$0x0] =	wrdreg $0x0  }
0x20: {  	s5 =	sshll.u32 s28, $0x1;
	[dreg:$0x2] =	wrdreg s3  }
0x21: {  	[dreg:$0x3] =	wrdreg s5  }
0x22: {  	[dreg:$0x4] =	wrdreg $0xC0  }
0x23: {  	_ =	task [dreg:s7], $0x5FFFF  }
0x24: {  	[dreg:$0x1] =	wrdreg $0xFFFFFFFF  }
0x25: {  	[dreg:$0x0] =	wrdreg $0x60  }
0x26: {  	[dreg:$0x2] =	wrdreg s25  }
0x27: {  	[dreg:$0x3] =	wrdreg s2  }
0x28: {  	[dreg:$0x4] =	wrdreg $0x9  }
0x29: {  	_ =	task.clear_ibuf [dreg:s7], $0x5FFFF;
	_ =	strace $0x90000052  }
0x2a: {  	s29 =	simm.s32 $0x9;
	_ =	strace $0x80000054  }
0x2b: {  	_ =	swait.ge [sflag:s29], $0x1  }
0x2c: {  	[sflag:s29] =	ssyncadd.s32 $0xFFFFFFFF  }
0x2d: {  	_ =	strace $0x90000054  }
0x2e: {  	_ =	sfence  }
0x2f: {  	s30 =	sld [smem:$0x0];
	_ =	sdelay $0x2  }
0x30: {  	s31 =	sshll.u32 s1, $0xD;
	s1 =	sshrl.u32 s1, $0x2  }
0x31: {  	s3 =	sand.u32 $0x4000, s31;
	s1 =	sadd.s32 s1, s30  }
0x32: {  	s0 =	sor.u32 s3, s0;
	s1 =	sshll.u32 s1, $0x11  }
0x33: {  	s0 =	sor.u32 s1, s0  }
0x34: {  	s0 =	sadd.s32 $0x8F2B, s0  }
0x35: {  	[sflag:s0] =	ssyncadd.remote.s32 $0x1  }
0x36: {  	_ =	sfence.sel $0xFFFF  }
0x37: {  	[dreg:$0x0] =	wrdreg $0xFFFFFFFF;
	(pc) =	sbr.abs _section_cstart, $3  }
0x38: {  	[dreg:$0x1] =	wrdreg $0xFFFFFFFF  }
0x39: {  	_ =	task.clear_ibuf [dreg:s7], $0x2FFFF;
	_ =	strace $0x9FFFFFFF  }
0x3a: {  	(tm) =	ssettm $0x7FFFFFFF  }
0x3b: {  	_ =	shalt  }
tec
execute0_lowered:
.L_overlay_start_1:
0x0: {  	(tag) =	ssettag $0x1  }
0x1: {  	s0 =	srdreg.scid  }
0x2: {  	s1 =	sshll.u32 s0, $0x4  }
0x3: {  	s0 =	stileid.u32;
	s1 =	sand.u32 $0x10, s1  }
0x4: {  	s1 =	sor.u32 s0, s1  }
0x5: {  	s6 =	rddreg [dreg:$0x0];
	s4 =	simm.s32 $0x1;
	s2 =	sshll.u32 s1, $0x7  }
0x6: {  	s7 =	simm.s32 $0x2;
	s12 =	simm.s32 $0x0;
	s1 =	ssub.s32 $0x4000, s2  }
0x7: {  	s8 =	simm.s32 $0x20000;
	s13 =	simm.s32 $0x0;
	s3 =	sand.u32 $0xF80, s1  }
0x8: {  	s9 =	simm.s32 $0x0;
	s5 =	sshrl.u32 s1, $0xC;
	p0 =	sne.s32 s3, $0x0  }
.Ltmp0:
0x9: {  	s1 =	rddreg [dreg:$0x2];
	s4 =	simm.s32 @!p0 $0x0;
	(pc) =	sbr.rel .LBB1_1-.Ltmp0, $4  }
0xa: {  	s11 =	simm.s32 $0x0;
	s3 =	rddreg [dreg:$0x1];
	s5 =	sadd.s32 s4, s5  }
0xb: {  	_ =	strace $0x80000053;
	s4 =	simm.s32 $0x1;
	s5 =	smul.u32 $0xC8, s5  }
0xc: {  	s6 =	sadd.s32 $0xA00, s6;
	s10 =	smov.u32 s2;
	[sflag:s4] =	ssyncpa.u1 $0x0  }
0xd: {  	p0 =	por $0x0, $0x0;
	[sflag:s7] =	ssyncpa.u1 $0x0;
	s7 =	sor.u32 $0x1, s5  }
.LBB1_4:
0xe: {  	s16 =	sshll.u32 s13, $0x3;
	s17 =	sand.u32 $0x78, s13  }
0xf: {  	s30 =	sand.u32 $0x1F800, s13;
	s12 =	sshll.u32 s12, $0x11;
	s16 =	sand.u32 $0x3C00, s16  }
0x10: {  	[tilespmem:s15+$0x810 ss:$0x81] =	vst.msk $0xffff, v2;
	s31 =	sand.u32 $0x7, s13;
	s16 =	sor.u32 s17, s16;
	s17 =	sadd.s32 s3, s30  }
0x11: {  	[tilespmem:s15+$0x1020 ss:$0x81] =	vst.msk $0xffff, v0;
	s13 =	sshll.u32 s31, $0x12;
	s12 =	sadd.s32 s12, s17;
	s16 =	sshrl.u32 s16, $0x3  }
0x12: {  	[tilespmem:s15+$0x0 ss:$0x81] =	vst.msk $0xffff, v1;
	s13 =	sor.u32 $0x400, s13;
	s12 =	sadd.s32 s16, s12  }
0x13: {  	[hbm4b:s12+s13] =	stream.strided.scatter [tilespmem:s14], [sflag:$0x2], $0x2000, s8, s13, $0x20;
	[tilespmem:$0x8080] =	vst v63  }
.LBB1_5:
0x14: {  	s14 =	sadd.s32 $0x1, s9  }
0x15: {  	s12 =	sadd.s32 $0x1000, s10;
	s16 =	smov.u32 s10;
	p2 =	sgt.s32 s14, $0xC7  }
0x16: {  	s16 =	smov.u32 @p2 s12  }
0x17: {  	s14 =	simm.s32 @p2 $0x0;
	p2 =	sgt.s32 s16, $0x3FFF  }
0x18: {  	s16 =	smov.u32 @p2 s2;
	p2 =	sne.s32 s11, s7  }
.Ltmp1:
0x19: {  	p1 =	slt.u32 s11, $0x2;
	(pc) =	sbr.rel @!p2 .LBB1_6-.Ltmp1, $4  }
0x1a: {  	s15 =	simm.s32 @!p1 $0x2  }
0x1b: {  	s13 =	smov.u32 s10;
	p0 =	por !p0, !p0;
	_ =	swait.ge @!p1 [sflag:s15], $0x2000  }
0x1c: {  	s12 =	smov.u32 s9;
	[sflag:s15] =	ssyncset.done @!p1 $0x0;
	s9 =	smov.u32 s14  }
0x1d: {  	s11 =	sadd.s32 $0x1, s11;
	[sflag:s15] =	ssyncadd.s32 @!p1 $0xFFFFE000;
	s10 =	smov.u32 s16  }
.LBB1_1:
0x1e: {  	p1 =	sge.u32 s11, s5  }
0x1f: {  	s14 =	sand.u32 @!p1 $0x1FFFFFF, s9  }
0x20: {  	s15 =	smulhi.u32 @!p1 $0x147AE15, s14;
	_ =	sdelay $0x1  }
0x21: {  	s15 =	smul.u32 @!p1 $0xC8, s15  }
0x22: {  	s16 =	sxor.u32 @!p1 $0xFFFFFFFF, s11;
	s17 =	smul.u32 @!p1 $0xC80, s10  }
0x23: {  	s31 =	sadd.s32 $0xFFFFFFFF, s11;
	s16 =	sshll.u32 @!p1 s16, $0xD;
	s14 =	ssub.s32 @!p1 s14, s15  }
0x24: {  	s15 =	sand.u32 @!p1 $0x2000, s16;
	s16 =	sadd.s32 @!p1 s6, s17;
	s14 =	sshll.u32 @!p1 s14, $0x4  }
0x25: {  	s17 =	simm.s32 @!p1 $0x6400;
	s14 =	sadd.s32 @!p1 s14, s16;
	s16 =	simm.s32 @!p1 $0x40  }
0x26: {  	[tilespmem:s15], [sflag:$0x1] =	stream.strided.gather @!p1 [hbm4b:s14+s16], $0x2000, s17, s16, $0x38;
	[tilespmem:$0x8080] =	vst v63  }
0x27: {  	p1 =	sge.u32 s31, s5  }
.Ltmp2:
0x28: {  	_ = 	snop;
	(pc) =	sbr.rel @p1 .LBB1_5-.Ltmp2, $1  }
0x29: {  	_ =	sdelay $0x3  }
0x2a: {  	s14 =	simm.s32 $0x1  }
0x2b: {  	_ =	swait.ge [sflag:s4], $0x2000;
	s14 =	simm.s32 @!p0 $0x0  }
0x2c: {  	[sflag:s4] =	ssyncset.done $0x0;
	s15 =	sshll.u32 s14, $0xD  }
0x2d: {  	[sflag:s4] =	ssyncadd.s32 $0xFFFFE000;
	s18 =	sor.u32 $0x20, s15  }
0x2e: {  	s14 =	smul.u32 $0x8100, s14;
	v3 =	vld [tilespmem:s18+$0x10]  }
0x2f: {  	s30 =	sand.u32 $0x1, s11;
	v2 =	vld [tilespmem:s18+$0xFFFFFFF0]  }
0x30: {  	s15 =	smul.u32 $0x8100, s30;
	s14 =	sshrl.u32 s14, $0x2;
	v0 =	vld [tilespmem:s18+$0x0]  }
0x31: {  	v1 =	vld [tilespmem:s18+$0xFFFFFFE0];
	s16 =	sor.u32 $0x4000, s14  }
0x32: {  	s31 =	sshrl.u32 s15, $0x2;
	s15 =	sadd.s32 $0x0, s16  }
0x33: {  	s17 =	simm.s32 $0x4;
	s18 =	sadd.s32 $0x40, s18;
	s14 =	sor.u32 $0x4000, s31;
	[tilespmem:s15+$0x1830 ss:$0x81] =	vst.msk $0xffff, v3  }
.LBB1_3:
0x34: {  	v3 =	vld [tilespmem:s18+$0x10];
	p1 =	sne.s32 s17, $0x1FC;
	[tilespmem:s15+$0x810 ss:$0x81] =	vst.msk $0xffff, v2;
	s19 =	smov.u32 s17;
	s17 =	sadd.s32 $0x4, s17  }
.Ltmp3:
0x35: {  	v2 =	vld [tilespmem:s18+$0xFFFFFFF0];
	[tilespmem:s15+$0x1020 ss:$0x81] =	vst.msk $0xffff, v0;
	(pc) =	sbr.rel @p1 .LBB1_3-.Ltmp3, $4  }
0x36: {  	v0 =	vld [tilespmem:s18+$0x0];
	[tilespmem:s15+$0x0 ss:$0x81] =	vst.msk $0xffff, v1  }
0x37: {  	s15 =	sshra.s32 s19, $0x2;
	v1 =	vld [tilespmem:s18+$0xFFFFFFE0]  }
0x38: {  	s15 =	sadd.s32 s15, s16  }
0x39: {  	s18 =	sadd.s32 $0x40, s18;
	[tilespmem:s15+$0x1830 ss:$0x81] =	vst.msk $0xffff, v3  }
.Ltmp4:
0x3a: {  	_ = 	snop;
	(pc) =	sbr.rel .LBB1_4-.Ltmp4, $1  }
0x3b: {  	_ =	sdelay $0x3  }
.LBB1_6:
0x3c: {  	_ =	sfence.sel $0x180000  }
0x3d: {  	s2 =	simm.s32 $0x1;
	[bflag:$0x0] =	sbarrier.arrive $0xFFFF  }
0x3e: {  	s31 =	simm.s32 $0x2;
	[sflag:s2] =	ssyncpa.u1 $0x1  }
0x3f: {  	[sflag:s31] =	ssyncpa.u1 $0x1  }
0x40: {  	p0 =	sne.s32 s0, $0x0;
	_ =	strace $0x90000053  }
0x41: {  	s0 =	sadd.s32 @!p0 $0x100000, s1;
	[bflag:$0x2] =	sbarrier.arrive $0xFFFF  }
0x42: {  	[sflag:s0] =	ssyncadd.tile.s32 @!p0 $0x1;
	_ =	shalt  }
.Lfunc_end1:
_tile_overlayer_lowered:
.L_overlay_start_2:
0x43: {  	(tag) =	ssettag $0x2  }
0x44: {  	s0 =	rddreg [dreg:$0x0];
	s2 =	stileid.u32  }
0x45: {  	s1 =	rddreg [dreg:$0x1];
	p0 =	sne.s32 s2, $0x0  }
0x46: {  	s3 =	rddreg [dreg:$0x2];
	[bflag:$0x3] =	sbarrier.arrive $0xFFFF;
	s2 =	simm.s32 @!p0 $0x1C01  }
0x47: {  	[timem:s3], [sflag:s2] =	dma.local @!p0 [hbm:s0], s1  }
0x48: {  	s0 =	simm.s32 @!p0 $0x1  }
0x49: {  	_ =	swait.ge @!p0 [sflag:s0], s1  }
0x4a: {  	s1 =	ssub.s32 @!p0 $0x0, s1;
	[sflag:s0] =	ssyncset.done @!p0 $0x0  }
0x4b: {  	[sflag:s0] =	ssyncadd.s32 @!p0 s1  }
0x4c: {  	[bflag:$0x3] =	sbarrier.arrive $0xFFFF  }
0x4d: {  	_ =	shalt  }

</sc_bundles>
